<compile_context>
chip_gen: v7x
topology: tpu7x:2x2x1
jax: 0.10.2.dev20260603
libtpu: 0.0.44.dev20260713+nightly
codegen_flags: <defaults>
</compile_context>

<pallas_src>
import functools

import jax
import jax.numpy as jnp
from jax import lax
from jax.experimental import pallas as pl
from jax.experimental.pallas import tpu as pltpu
from jax.experimental.pallas import tpu_sc as plsc

VOCAB = 1000000
EMBED = 64
HIDDEN = 128
OUT = 2
B = 4096
L = 200

NC = 2
NS = 16
NW = NC * NS
ROWS_PER_TILE = B // NW
LPAD = 256


def _sc_pool(x, emb):
    mesh = plsc.VectorSubcoreMesh(
        core_axis_name="c", subcore_axis_name="s", num_cores=NC, num_subcores=NS
    )

    @functools.partial(
        pl.kernel,
        out_type=jax.ShapeDtypeStruct((B, EMBED), jnp.float32),
        mesh=mesh,
        compiler_params=pltpu.CompilerParams(use_tc_tiling_on_sc=False),
        scratch_types=[
            pltpu.VMEM((ROWS_PER_TILE, LPAD), jnp.int32),
            pltpu.VMEM((2, L, EMBED), jnp.float32),
            pltpu.VMEM((ROWS_PER_TILE, EMBED), jnp.float32),
            pltpu.SemaphoreType.DMA,
            pltpu.SemaphoreType.DMA,
            pltpu.SemaphoreType.DMA,
        ],
    )
    def pool_kernel(
        x_hbm, emb_hbm, out_hbm, idx_v, rows_v, pooled_v, sem_i, sem_g0, sem_g1
    ):
        wid = lax.axis_index("s") * NC + lax.axis_index("c")
        row_base = wid * ROWS_PER_TILE
        pltpu.async_copy(
            x_hbm.at[pl.ds(row_base, ROWS_PER_TILE)], idx_v, sem_i
        ).wait()
        sems = (sem_g0, sem_g1)

        def gather_descs(r, b):
            d1 = pltpu.make_async_copy(
                emb_hbm.at[idx_v.at[r, pl.ds(0, 128)]],
                rows_v.at[b].at[pl.ds(0, 128)],
                sems[b],
            )
            d2 = pltpu.make_async_copy(
                emb_hbm.at[idx_v.at[r, pl.ds(128, L - 128)]],
                rows_v.at[b].at[pl.ds(128, L - 128)],
                sems[b],
            )
            return d1, d2

        def issue(r, b):
            d1, d2 = gather_descs(r, b)
            d1.start()
            d2.start()

        issue(0, 0)
        issue(1, 1)

        @pl.loop(0, ROWS_PER_TILE // 2)
        def _pair(t):
            for b in range(2):
                r = 2 * t + b
                d1, d2 = gather_descs(r, b)
                d1.wait()
                d2.wait()

                @pl.when(r + 2 < ROWS_PER_TILE)
                def _():
                    issue(r + 2, b)

                buf = rows_v.at[b]
                zeros = jnp.zeros((16,), jnp.float32)

                def body(k8, accs):
                    accs = list(accs)
                    for j in range(8):
                        k = k8 * 8 + j
                        for c in range(4):
                            i = c * 2 + (j & 1)
                            accs[i] = accs[i] + buf[k, pl.ds(c * 16, 16)]
                    return tuple(accs)

                accs = lax.fori_loop(0, L // 8, body, (zeros,) * 8)
                for c in range(4):
                    pooled_v[r, pl.ds(c * 16, 16)] = accs[c * 2] + accs[c * 2 + 1]

        pltpu.sync_copy(
            pooled_v, out_hbm.at[pl.ds(row_base, ROWS_PER_TILE)]
        )

    return pool_kernel(x, emb)


def _tc_mlp(pooled, W1t, b1, W2t, b2):

    def mlp_body(p_ref, w1_ref, b1_ref, w2_ref, b2_ref, o_ref):
        p = p_ref[...] * (1.0 / L)
        h = jnp.dot(p, w1_ref[...], preferred_element_type=jnp.float32)
        h = jnp.maximum(h + b1_ref[...], 0.0)
        o_ref[...] = (
            jnp.dot(h, w2_ref[...], preferred_element_type=jnp.float32)
            + b2_ref[...]
        )

    return pl.pallas_call(
        mlp_body,
        out_shape=jax.ShapeDtypeStruct((B, OUT), jnp.float32),
    )(pooled, W1t, b1, W2t, b2)


def kernel(x, emb, W1, b1, W2, b2):
    xp = jnp.pad(x, ((0, 0), (0, LPAD - L)))
    pooled = _sc_pool(xp, emb)
    return _tc_mlp(
        pooled,
        W1.T,
        b1.reshape(1, HIDDEN),
        W2.T,
        b2.reshape(1, OUT),
    )

# --- scband reference (transcript-rebuilt; emitter-appended) ---
"""Pipeline reference for scband-swem-41678362640665 (READ-ONLY COPY).

The authoritative reference and input builder live on the scoring server;
editing this copy changes nothing except your own understanding.
"""

import jax, jax.numpy as jnp
import numpy as np

VOCAB = 1000000
EMBED = 64
HIDDEN = 128
OUT = 2
B = 4096
L = 200

def setup_inputs(seed: int = 0) -> dict:
    key = jax.random.key(seed)
    k_x, k_emb, k_w1, k_b1, k_w2, k_b2 = jax.random.split(key, 6)
    x = jax.random.randint(k_x, (B, L), 0, VOCAB, dtype=jnp.int64) if jax.config.read('jax_enable_x64') else jax.random.randint(k_x, (B, L), 0, VOCAB, dtype=jnp.int32)
    emb = jax.random.normal(k_emb, (VOCAB, EMBED), dtype=jnp.float32)
    W1 = jax.random.normal(k_w1, (HIDDEN, EMBED), dtype=jnp.float32) * (1.0 / np.sqrt(EMBED))
    b1 = jax.random.normal(k_b1, (HIDDEN,), dtype=jnp.float32) * 0.01
    W2 = jax.random.normal(k_w2, (OUT, HIDDEN), dtype=jnp.float32) * (1.0 / np.sqrt(HIDDEN))
    b2 = jax.random.normal(k_b2, (OUT,), dtype=jnp.float32) * 0.01
    return {"x": x, "emb": emb, "W1": W1, "b1": b1, "W2": W2, "b2": b2}

def reference(x, emb, W1, b1, W2, b2):
    # embedding lookup (gather)
    embedded = jnp.take(emb, x, axis=0)            # [B, L, EMBED]
    embed_mean = jnp.mean(embedded, axis=1)         # [B, EMBED]
    h = jax.nn.relu(embed_mean @ W1.T + b1)         # [B, HIDDEN]
    out = h @ W2.T + b2                             # [B, OUT]
    return out

if __name__ == "__main__":
    import jax
    _d = setup_inputs()
    print(jax.jit(kernel)(*tuple(_d.values())))

</pallas_src>

<mosaic_0001>
#map = affine_map<(d0, d1) -> (0, 0)>
module attributes {stable_mosaic.version = 14 : i64} {
  func.func @pool_kernel(%arg0: i32, %arg1: i32, %arg2: memref<4096x256xi32, #tpu.memory_space<hbm>>, %arg3: memref<1000000x64xf32, #tpu.memory_space<hbm>>, %arg4: memref<4096x64xf32, #tpu.memory_space<hbm>>, %arg5: memref<128x256xi32, #tpu.memory_space<vmem>>, %arg6: memref<2x200x64xf32, #tpu.memory_space<vmem>>, %arg7: memref<128x64xf32, #tpu.memory_space<vmem>>, %arg8: memref<!tpu.dma_semaphore, #tpu.memory_space<semaphore_mem>>, %arg9: memref<!tpu.dma_semaphore, #tpu.memory_space<semaphore_mem>>, %arg10: memref<!tpu.dma_semaphore, #tpu.memory_space<semaphore_mem>>) attributes {dimension_semantics = [#tpu.dimension_semantics<core_parallel>, #tpu.dimension_semantics<subcore_parallel>], iteration_bounds = array<i64: 2, 16>, scalar_prefetch = 0 : i64, scratch_operands = 6 : i64, tpu.core_type = #tpu.core_type<sc_vector_subcore>, window_params = [{transform_indices = #map}, {transform_indices = #map}, {transform_indices = #map}]} {
    %mul3A = arith.constant 2 : i32
    %mul3A_0 = arith.muli %arg1, %mul3A : i32
    %add3A = arith.addi %mul3A_0, %arg0 : i32
    %mul3A_1 = arith.constant 128 : i32
    %mul3A_2 = arith.muli %add3A, %mul3A_1 : i32
    %dma_start3A = arith.constant 0 : i32
    %dma_start3A_3 = tpu.memref_slice %arg2[%mul3A_2, %dma_start3A] : memref<4096x256xi32, #tpu.memory_space<hbm>> -> memref<128x256xi32, #tpu.memory_space<hbm>>
    %dma_start3A_4 = arith.constant 0 : i32
    %dma_start3A_5 = tpu.memref_slice %arg2[%mul3A_2, %dma_start3A_4] : memref<4096x256xi32, #tpu.memory_space<hbm>> -> memref<128x256xi32, #tpu.memory_space<hbm>>
    tpu.enqueue_dma source(%dma_start3A_5 : memref<128x256xi32, #tpu.memory_space<hbm>>) target(%arg5 : memref<128x256xi32, #tpu.memory_space<vmem>>) target_semaphore(%arg8 : memref<!tpu.dma_semaphore, #tpu.memory_space<semaphore_mem>>)
    %dma_wait3A = arith.constant 0 : i32
    %dma_wait3A_6 = tpu.memref_slice %arg2[%mul3A_2, %dma_wait3A] : memref<4096x256xi32, #tpu.memory_space<hbm>> -> memref<128x256xi32, #tpu.memory_space<hbm>>
    %dma_wait3A_7 = arith.constant 0 : i32
    %dma_wait3A_8 = tpu.memref_slice %arg2[%mul3A_2, %dma_wait3A_7] : memref<4096x256xi32, #tpu.memory_space<hbm>> -> memref<128x256xi32, #tpu.memory_space<hbm>>
    tpu.wait_dma2 semaphore(%arg8 : memref<!tpu.dma_semaphore, #tpu.memory_space<semaphore_mem>>) src(%dma_wait3A_8 : memref<128x256xi32, #tpu.memory_space<hbm>>) dst(%arg5 : memref<128x256xi32, #tpu.memory_space<vmem>>)
    %dma_start3A_9 = arith.constant 0 : i32
    %dma_start3A_10 = arith.constant 0 : i32
    %dma_start3A_11 = arith.constant 0 : i32
    %dma_start3A_12 = arith.constant 0 : i32
    %dma_start3A_13 = tpu.memref_slice %arg6[%dma_start3A_10, %dma_start3A_11, %dma_start3A_12] : memref<2x200x64xf32, #tpu.memory_space<vmem>> -> memref<1x200x64xf32, #tpu.memory_space<vmem>>
    %dma_start3A_14 = tpu.memref_squeeze %dma_start3A_13 : memref<1x200x64xf32, #tpu.memory_space<vmem>> -> memref<200x64xf32, #tpu.memory_space<vmem>>
    %dma_start3A_15 = arith.constant 0 : i32
    %dma_start3A_16 = arith.constant 0 : i32
    %dma_start3A_17 = tpu.memref_slice %dma_start3A_14[%dma_start3A_15, %dma_start3A_16] : memref<200x64xf32, #tpu.memory_space<vmem>> -> memref<128x64xf32, #tpu.memory_space<vmem>>
    %dma_start3A_18 = arith.constant 0 : i32
    %dma_start3A_19 = tpu.memref_slice %arg5[%dma_start3A_9, %dma_start3A_18] : memref<128x256xi32, #tpu.memory_space<vmem>> -> memref<1x128xi32, #tpu.memory_space<vmem>>
    %dma_start3A_20 = tpu.memref_squeeze %dma_start3A_19 : memref<1x128xi32, #tpu.memory_space<vmem>> -> memref<128xi32, #tpu.memory_space<vmem>>
    %dma_start3A_21 = arith.constant 0 : i32
    %dma_start3A_22 = arith.constant 0 : i32
    %dma_start3A_23 = tpu.memref_slice %arg3[%dma_start3A_21, %dma_start3A_22] : memref<1000000x64xf32, #tpu.memory_space<hbm>> -> memref<1000000x64xf32, #tpu.memory_space<hbm>>
    tpu.enqueue_indirect_dma source(%dma_start3A_23 : memref<1000000x64xf32, #tpu.memory_space<hbm>>) target(%dma_start3A_17 : memref<128x64xf32, #tpu.memory_space<vmem>>) offsets(%dma_start3A_20 : memref<128xi32, #tpu.memory_space<vmem>>) semaphore(%arg9 : memref<!tpu.dma_semaphore, #tpu.memory_space<semaphore_mem>>)
    %dma_start3A_24 = arith.constant 0 : i32
    %dma_start3A_25 = arith.constant 0 : i32
    %dma_start3A_26 = arith.constant 0 : i32
    %dma_start3A_27 = arith.constant 0 : i32
    %dma_start3A_28 = tpu.memref_slice %arg6[%dma_start3A_25, %dma_start3A_26, %dma_start3A_27] : memref<2x200x64xf32, #tpu.memory_space<vmem>> -> memref<1x200x64xf32, #tpu.memory_space<vmem>>
    %dma_start3A_29 = tpu.memref_squeeze %dma_start3A_28 : memref<1x200x64xf32, #tpu.memory_space<vmem>> -> memref<200x64xf32, #tpu.memory_space<vmem>>
    %dma_start3A_30 = arith.constant 128 : i32
    %dma_start3A_31 = arith.constant 0 : i32
    %dma_start3A_32 = tpu.memref_slice %dma_start3A_29[%dma_start3A_30, %dma_start3A_31] : memref<200x64xf32, #tpu.memory_space<vmem>> -> memref<72x64xf32, #tpu.memory_space<vmem>>
    %dma_start3A_33 = arith.constant 128 : i32
    %dma_start3A_34 = tpu.memref_slice %arg5[%dma_start3A_24, %dma_start3A_33] : memref<128x256xi32, #tpu.memory_space<vmem>> -> memref<1x72xi32, #tpu.memory_space<vmem>>
    %dma_start3A_35 = tpu.memref_squeeze %dma_start3A_34 : memref<1x72xi32, #tpu.memory_space<vmem>> -> memref<72xi32, #tpu.memory_space<vmem>>
    %dma_start3A_36 = arith.constant 0 : i32
    %dma_start3A_37 = arith.constant 0 : i32
    %dma_start3A_38 = tpu.memref_slice %arg3[%dma_start3A_36, %dma_start3A_37] : memref<1000000x64xf32, #tpu.memory_space<hbm>> -> memref<1000000x64xf32, #tpu.memory_space<hbm>>
    tpu.enqueue_indirect_dma source(%dma_start3A_38 : memref<1000000x64xf32, #tpu.memory_space<hbm>>) target(%dma_start3A_32 : memref<72x64xf32, #tpu.memory_space<vmem>>) offsets(%dma_start3A_35 : memref<72xi32, #tpu.memory_space<vmem>>) semaphore(%arg9 : memref<!tpu.dma_semaphore, #tpu.memory_space<semaphore_mem>>)
    %dma_start3A_39 = arith.constant 1 : i32
    %dma_start3A_40 = arith.constant 1 : i32
    %dma_start3A_41 = arith.constant 0 : i32
    %dma_start3A_42 = arith.constant 0 : i32
    %dma_start3A_43 = tpu.memref_slice %arg6[%dma_start3A_40, %dma_start3A_41, %dma_start3A_42] : memref<2x200x64xf32, #tpu.memory_space<vmem>> -> memref<1x200x64xf32, #tpu.memory_space<vmem>>
    %dma_start3A_44 = tpu.memref_squeeze %dma_start3A_43 : memref<1x200x64xf32, #tpu.memory_space<vmem>> -> memref<200x64xf32, #tpu.memory_space<vmem>>
    %dma_start3A_45 = arith.constant 0 : i32
    %dma_start3A_46 = arith.constant 0 : i32
    %dma_start3A_47 = tpu.memref_slice %dma_start3A_44[%dma_start3A_45, %dma_start3A_46] : memref<200x64xf32, #tpu.memory_space<vmem>> -> memref<128x64xf32, #tpu.memory_space<vmem>>
    %dma_start3A_48 = arith.constant 0 : i32
    %dma_start3A_49 = tpu.memref_slice %arg5[%dma_start3A_39, %dma_start3A_48] : memref<128x256xi32, #tpu.memory_space<vmem>> -> memref<1x128xi32, #tpu.memory_space<vmem>>
    %dma_start3A_50 = tpu.memref_squeeze %dma_start3A_49 : memref<1x128xi32, #tpu.memory_space<vmem>> -> memref<128xi32, #tpu.memory_space<vmem>>
    %dma_start3A_51 = arith.constant 0 : i32
    %dma_start3A_52 = arith.constant 0 : i32
    %dma_start3A_53 = tpu.memref_slice %arg3[%dma_start3A_51, %dma_start3A_52] : memref<1000000x64xf32, #tpu.memory_space<hbm>> -> memref<1000000x64xf32, #tpu.memory_space<hbm>>
    tpu.enqueue_indirect_dma source(%dma_start3A_53 : memref<1000000x64xf32, #tpu.memory_space<hbm>>) target(%dma_start3A_47 : memref<128x64xf32, #tpu.memory_space<vmem>>) offsets(%dma_start3A_50 : memref<128xi32, #tpu.memory_space<vmem>>) semaphore(%arg10 : memref<!tpu.dma_semaphore, #tpu.memory_space<semaphore_mem>>)
    %dma_start3A_54 = arith.constant 1 : i32
    %dma_start3A_55 = arith.constant 1 : i32
    %dma_start3A_56 = arith.constant 0 : i32
    %dma_start3A_57 = arith.constant 0 : i32
    %dma_start3A_58 = tpu.memref_slice %arg6[%dma_start3A_55, %dma_start3A_56, %dma_start3A_57] : memref<2x200x64xf32, #tpu.memory_space<vmem>> -> memref<1x200x64xf32, #tpu.memory_space<vmem>>
    %dma_start3A_59 = tpu.memref_squeeze %dma_start3A_58 : memref<1x200x64xf32, #tpu.memory_space<vmem>> -> memref<200x64xf32, #tpu.memory_space<vmem>>
    %dma_start3A_60 = arith.constant 128 : i32
    %dma_start3A_61 = arith.constant 0 : i32
    %dma_start3A_62 = tpu.memref_slice %dma_start3A_59[%dma_start3A_60, %dma_start3A_61] : memref<200x64xf32, #tpu.memory_space<vmem>> -> memref<72x64xf32, #tpu.memory_space<vmem>>
    %dma_start3A_63 = arith.constant 128 : i32
    %dma_start3A_64 = tpu.memref_slice %arg5[%dma_start3A_54, %dma_start3A_63] : memref<128x256xi32, #tpu.memory_space<vmem>> -> memref<1x72xi32, #tpu.memory_space<vmem>>
    %dma_start3A_65 = tpu.memref_squeeze %dma_start3A_64 : memref<1x72xi32, #tpu.memory_space<vmem>> -> memref<72xi32, #tpu.memory_space<vmem>>
    %dma_start3A_66 = arith.constant 0 : i32
    %dma_start3A_67 = arith.constant 0 : i32
    %dma_start3A_68 = tpu.memref_slice %arg3[%dma_start3A_66, %dma_start3A_67] : memref<1000000x64xf32, #tpu.memory_space<hbm>> -> memref<1000000x64xf32, #tpu.memory_space<hbm>>
    tpu.enqueue_indirect_dma source(%dma_start3A_68 : memref<1000000x64xf32, #tpu.memory_space<hbm>>) target(%dma_start3A_62 : memref<72x64xf32, #tpu.memory_space<vmem>>) offsets(%dma_start3A_65 : memref<72xi32, #tpu.memory_space<vmem>>) semaphore(%arg10 : memref<!tpu.dma_semaphore, #tpu.memory_space<semaphore_mem>>)
    %scan3A = arith.constant 0 : i32
    %scan3A_69 = arith.constant 64 : i32
    %scan3A_70 = arith.addi %scan3A, %scan3A_69 : i32
    %scan3A_71 = arith.constant 1 : i32
    scf.for %scan3A_73 = %scan3A to %scan3A_70 step %scan3A_71  : i32 {
      %mul3A_74 = arith.constant 1 : i32
      %mul3A_75 = arith.muli %scan3A_73, %mul3A_74 : i32
      %add3A_76 = arith.constant 0 : i32
      %add3A_77 = arith.addi %add3A_76, %mul3A_75 : i32
      %mul3A_78 = arith.constant 2 : i32
      %mul3A_79 = arith.muli %mul3A_78, %add3A_77 : i32
      %add3A_80 = arith.constant 0 : i32
      %add3A_81 = arith.addi %mul3A_79, %add3A_80 : i32
      %dma_wait3A_82 = arith.constant 0 : i32
      %dma_wait3A_83 = arith.constant 0 : i32
      %dma_wait3A_84 = arith.constant 0 : i32
      %dma_wait3A_85 = tpu.memref_slice %arg6[%dma_wait3A_82, %dma_wait3A_83, %dma_wait3A_84] : memref<2x200x64xf32, #tpu.memory_space<vmem>> -> memref<1x200x64xf32, #tpu.memory_space<vmem>>
      %dma_wait3A_86 = tpu.memref_squeeze %dma_wait3A_85 : memref<1x200x64xf32, #tpu.memory_space<vmem>> -> memref<200x64xf32, #tpu.memory_space<vmem>>
      %dma_wait3A_87 = arith.constant 0 : i32
      %dma_wait3A_88 = arith.constant 0 : i32
      %dma_wait3A_89 = tpu.memref_slice %dma_wait3A_86[%dma_wait3A_87, %dma_wait3A_88] : memref<200x64xf32, #tpu.memory_space<vmem>> -> memref<128x64xf32, #tpu.memory_space<vmem>>
      %dma_wait3A_90 = arith.constant 0 : i32
      %dma_wait3A_91 = tpu.memref_slice %arg5[%add3A_81, %dma_wait3A_90] : memref<128x256xi32, #tpu.memory_space<vmem>> -> memref<1x128xi32, #tpu.memory_space<vmem>>
      %dma_wait3A_92 = tpu.memref_squeeze %dma_wait3A_91 : memref<1x128xi32, #tpu.memory_space<vmem>> -> memref<128xi32, #tpu.memory_space<vmem>>
      %dma_wait3A_93 = arith.constant 0 : i32
      %dma_wait3A_94 = arith.constant 0 : i32
      %dma_wait3A_95 = tpu.memref_slice %arg3[%dma_wait3A_93, %dma_wait3A_94] : memref<1000000x64xf32, #tpu.memory_space<hbm>> -> memref<1000000x64xf32, #tpu.memory_space<hbm>>
      tpu.wait_indirect_dma semaphore(%arg9 : memref<!tpu.dma_semaphore, #tpu.memory_space<semaphore_mem>>) src(%dma_wait3A_95 : memref<1000000x64xf32, #tpu.memory_space<hbm>>) dst(%dma_wait3A_89 : memref<128x64xf32, #tpu.memory_space<vmem>>)
      %dma_wait3A_96 = arith.constant 0 : i32
      %dma_wait3A_97 = arith.constant 0 : i32
      %dma_wait3A_98 = arith.constant 0 : i32
      %dma_wait3A_99 = tpu.memref_slice %arg6[%dma_wait3A_96, %dma_wait3A_97, %dma_wait3A_98] : memref<2x200x64xf32, #tpu.memory_space<vmem>> -> memref<1x200x64xf32, #tpu.memory_space<vmem>>
      %dma_wait3A_100 = tpu.memref_squeeze %dma_wait3A_99 : memref<1x200x64xf32, #tpu.memory_space<vmem>> -> memref<200x64xf32, #tpu.memory_space<vmem>>
      %dma_wait3A_101 = arith.constant 128 : i32
      %dma_wait3A_102 = arith.constant 0 : i32
      %dma_wait3A_103 = tpu.memref_slice %dma_wait3A_100[%dma_wait3A_101, %dma_wait3A_102] : memref<200x64xf32, #tpu.memory_space<vmem>> -> memref<72x64xf32, #tpu.memory_space<vmem>>
      %dma_wait3A_104 = arith.constant 128 : i32
      %dma_wait3A_105 = tpu.memref_slice %arg5[%add3A_81, %dma_wait3A_104] : memref<128x256xi32, #tpu.memory_space<vmem>> -> memref<1x72xi32, #tpu.memory_space<vmem>>
      %dma_wait3A_106 = tpu.memref_squeeze %dma_wait3A_105 : memref<1x72xi32, #tpu.memory_space<vmem>> -> memref<72xi32, #tpu.memory_space<vmem>>
      %dma_wait3A_107 = arith.constant 0 : i32
      %dma_wait3A_108 = arith.constant 0 : i32
      %dma_wait3A_109 = tpu.memref_slice %arg3[%dma_wait3A_107, %dma_wait3A_108] : memref<1000000x64xf32, #tpu.memory_space<hbm>> -> memref<1000000x64xf32, #tpu.memory_space<hbm>>
      tpu.wait_indirect_dma semaphore(%arg9 : memref<!tpu.dma_semaphore, #tpu.memory_space<semaphore_mem>>) src(%dma_wait3A_109 : memref<1000000x64xf32, #tpu.memory_space<hbm>>) dst(%dma_wait3A_103 : memref<72x64xf32, #tpu.memory_space<vmem>>)
      %add3A_110 = arith.constant 2 : i32
      %add3A_111 = arith.addi %add3A_81, %add3A_110 : i32
      %lt3A = arith.constant 128 : i32
      %lt3A_112 = arith.cmpi slt, %add3A_111, %lt3A : i32
      %convert_element_type3A = arith.extui %lt3A_112 : i1 to i32
      %cond3A = arith.constant 0 : i32
      %cond3A_113 = arith.cmpi ne, %convert_element_type3A, %cond3A : i32
      scf.if %cond3A_113 {
        %add3A_217 = arith.constant 2 : i32
        %add3A_218 = arith.addi %add3A_81, %add3A_217 : i32
        %dma_start3A_219 = arith.constant 0 : i32
        %dma_start3A_220 = arith.constant 0 : i32
        %dma_start3A_221 = arith.constant 0 : i32
        %dma_start3A_222 = tpu.memref_slice %arg6[%dma_start3A_219, %dma_start3A_220, %dma_start3A_221] : memref<2x200x64xf32, #tpu.memory_space<vmem>> -> memref<1x200x64xf32, #tpu.memory_space<vmem>>
        %dma_start3A_223 = tpu.memref_squeeze %dma_start3A_222 : memref<1x200x64xf32, #tpu.memory_space<vmem>> -> memref<200x64xf32, #tpu.memory_space<vmem>>
        %dma_start3A_224 = arith.constant 0 : i32
        %dma_start3A_225 = arith.constant 0 : i32
        %dma_start3A_226 = tpu.memref_slice %dma_start3A_223[%dma_start3A_224, %dma_start3A_225] : memref<200x64xf32, #tpu.memory_space<vmem>> -> memref<128x64xf32, #tpu.memory_space<vmem>>
        %dma_start3A_227 = arith.constant 0 : i32
        %dma_start3A_228 = tpu.memref_slice %arg5[%add3A_218, %dma_start3A_227] : memref<128x256xi32, #tpu.memory_space<vmem>> -> memref<1x128xi32, #tpu.memory_space<vmem>>
        %dma_start3A_229 = tpu.memref_squeeze %dma_start3A_228 : memref<1x128xi32, #tpu.memory_space<vmem>> -> memref<128xi32, #tpu.memory_space<vmem>>
        %dma_start3A_230 = arith.constant 0 : i32
        %dma_start3A_231 = arith.constant 0 : i32
        %dma_start3A_232 = tpu.memref_slice %arg3[%dma_start3A_230, %dma_start3A_231] : memref<1000000x64xf32, #tpu.memory_space<hbm>> -> memref<1000000x64xf32, #tpu.memory_space<hbm>>
        tpu.enqueue_indirect_dma source(%dma_start3A_232 : memref<1000000x64xf32, #tpu.memory_space<hbm>>) target(%dma_start3A_226 : memref<128x64xf32, #tpu.memory_space<vmem>>) offsets(%dma_start3A_229 : memref<128xi32, #tpu.memory_space<vmem>>) semaphore(%arg9 : memref<!tpu.dma_semaphore, #tpu.memory_space<semaphore_mem>>)
        %dma_start3A_233 = arith.constant 0 : i32
        %dma_start3A_234 = arith.constant 0 : i32
        %dma_start3A_235 = arith.constant 0 : i32
        %dma_start3A_236 = tpu.memref_slice %arg6[%dma_start3A_233, %dma_start3A_234, %dma_start3A_235] : memref<2x200x64xf32, #tpu.memory_space<vmem>> -> memref<1x200x64xf32, #tpu.memory_space<vmem>>
        %dma_start3A_237 = tpu.memref_squeeze %dma_start3A_236 : memref<1x200x64xf32, #tpu.memory_space<vmem>> -> memref<200x64xf32, #tpu.memory_space<vmem>>
        %dma_start3A_238 = arith.constant 128 : i32
        %dma_start3A_239 = arith.constant 0 : i32
        %dma_start3A_240 = tpu.memref_slice %dma_start3A_237[%dma_start3A_238, %dma_start3A_239] : memref<200x64xf32, #tpu.memory_space<vmem>> -> memref<72x64xf32, #tpu.memory_space<vmem>>
        %dma_start3A_241 = arith.constant 128 : i32
        %dma_start3A_242 = tpu.memref_slice %arg5[%add3A_218, %dma_start3A_241] : memref<128x256xi32, #tpu.memory_space<vmem>> -> memref<1x72xi32, #tpu.memory_space<vmem>>
        %dma_start3A_243 = tpu.memref_squeeze %dma_start3A_242 : memref<1x72xi32, #tpu.memory_space<vmem>> -> memref<72xi32, #tpu.memory_space<vmem>>
        %dma_start3A_244 = arith.constant 0 : i32
        %dma_start3A_245 = arith.constant 0 : i32
        %dma_start3A_246 = tpu.memref_slice %arg3[%dma_start3A_244, %dma_start3A_245] : memref<1000000x64xf32, #tpu.memory_space<hbm>> -> memref<1000000x64xf32, #tpu.memory_space<hbm>>
        tpu.enqueue_indirect_dma source(%dma_start3A_246 : memref<1000000x64xf32, #tpu.memory_space<hbm>>) target(%dma_start3A_240 : memref<72x64xf32, #tpu.memory_space<vmem>>) offsets(%dma_start3A_243 : memref<72xi32, #tpu.memory_space<vmem>>) semaphore(%arg9 : memref<!tpu.dma_semaphore, #tpu.memory_space<semaphore_mem>>)
      } else {
      }
      %broadcast_in_dim3A = arith.constant 0.000000e+00 : f32
      %broadcast_in_dim3A_114 = vector.broadcast %broadcast_in_dim3A : f32 to vector<16xf32>
      %scan3A_115 = arith.constant 0 : i32
      %scan3A_116 = arith.constant 0 : i32
      %scan3A_117 = arith.constant 25 : i32
      %scan3A_118 = arith.addi %scan3A_116, %scan3A_117 : i32
      %scan3A_119 = arith.constant 1 : i32
      %scan3A_120:8 = scf.for %scan3A_217 = %scan3A_116 to %scan3A_118 step %scan3A_119 iter_args(%scan3A_218 = %broadcast_in_dim3A_114, %scan3A_219 = %broadcast_in_dim3A_114, %scan3A_220 = %broadcast_in_dim3A_114, %scan3A_221 = %broadcast_in_dim3A_114, %scan3A_222 = %broadcast_in_dim3A_114, %scan3A_223 = %broadcast_in_dim3A_114, %scan3A_224 = %broadcast_in_dim3A_114, %scan3A_225 = %broadcast_in_dim3A_114) -> (vector<16xf32>, vector<16xf32>, vector<16xf32>, vector<16xf32>, vector<16xf32>, vector<16xf32>, vector<16xf32>, vector<16xf32>)  : i32 {
        %mul3A_226 = arith.constant 8 : i32
        %mul3A_227 = arith.muli %scan3A_217, %mul3A_226 : i32
        %add3A_228 = arith.constant 0 : i32
        %add3A_229 = arith.addi %mul3A_227, %add3A_228 : i32
        %get3A = arith.constant 0 : i32
        %get3A_230 = arith.constant 0 : i32
        %get3A_231 = tpu.memref_slice %arg6[%scan3A_115, %get3A, %get3A_230] : memref<2x200x64xf32, #tpu.memory_space<vmem>> -> memref<1x200x64xf32, #tpu.memory_space<vmem>>
        %get3A_232 = tpu.memref_squeeze %get3A_231 : memref<1x200x64xf32, #tpu.memory_space<vmem>> -> memref<200x64xf32, #tpu.memory_space<vmem>>
        %get3A_233 = arith.index_cast %add3A_229 : i32 to index
        %get3A_234 = arith.constant 0 : index
        %get3A_235 = tpu.vector_load %get3A_232[%get3A_233, %get3A_234] {strides = array<i32>} : memref<200x64xf32, #tpu.memory_space<vmem>>, vector<1x16xf32>,
        %get3A_236 = vector.shape_cast %get3A_235 : vector<1x16xf32> to vector<16xf32>
        %add3A_237 = arith.addf %scan3A_218, %get3A_236 : vector<16xf32>
        %get3A_238 = arith.constant 0 : i32
        %get3A_239 = arith.constant 0 : i32
        %get3A_240 = tpu.memref_slice %arg6[%scan3A_115, %get3A_238, %get3A_239] : memref<2x200x64xf32, #tpu.memory_space<vmem>> -> memref<1x200x64xf32, #tpu.memory_space<vmem>>
        %get3A_241 = tpu.memref_squeeze %get3A_240 : memref<1x200x64xf32, #tpu.memory_space<vmem>> -> memref<200x64xf32, #tpu.memory_space<vmem>>
        %get3A_242 = arith.index_cast %add3A_229 : i32 to index
        %get3A_243 = arith.constant 16 : index
        %get3A_244 = tpu.vector_load %get3A_241[%get3A_242, %get3A_243] {strides = array<i32>} : memref<200x64xf32, #tpu.memory_space<vmem>>, vector<1x16xf32>,
        %get3A_245 = vector.shape_cast %get3A_244 : vector<1x16xf32> to vector<16xf32>
        %add3A_246 = arith.addf %scan3A_220, %get3A_245 : vector<16xf32>
        %get3A_247 = arith.constant 0 : i32
        %get3A_248 = arith.constant 0 : i32
        %get3A_249 = tpu.memref_slice %arg6[%scan3A_115, %get3A_247, %get3A_248] : memref<2x200x64xf32, #tpu.memory_space<vmem>> -> memref<1x200x64xf32, #tpu.memory_space<vmem>>
        %get3A_250 = tpu.memref_squeeze %get3A_249 : memref<1x200x64xf32, #tpu.memory_space<vmem>> -> memref<200x64xf32, #tpu.memory_space<vmem>>
        %get3A_251 = arith.index_cast %add3A_229 : i32 to index
        %get3A_252 = arith.constant 32 : index
        %get3A_253 = tpu.vector_load %get3A_250[%get3A_251, %get3A_252] {strides = array<i32>} : memref<200x64xf32, #tpu.memory_space<vmem>>, vector<1x16xf32>,
        %get3A_254 = vector.shape_cast %get3A_253 : vector<1x16xf32> to vector<16xf32>
        %add3A_255 = arith.addf %scan3A_222, %get3A_254 : vector<16xf32>
        %get3A_256 = arith.constant 0 : i32
        %get3A_257 = arith.constant 0 : i32
        %get3A_258 = tpu.memref_slice %arg6[%scan3A_115, %get3A_256, %get3A_257] : memref<2x200x64xf32, #tpu.memory_space<vmem>> -> memref<1x200x64xf32, #tpu.memory_space<vmem>>
        %get3A_259 = tpu.memref_squeeze %get3A_258 : memref<1x200x64xf32, #tpu.memory_space<vmem>> -> memref<200x64xf32, #tpu.memory_space<vmem>>
        %get3A_260 = arith.index_cast %add3A_229 : i32 to index
        %get3A_261 = arith.constant 48 : index
        %get3A_262 = tpu.vector_load %get3A_259[%get3A_260, %get3A_261] {strides = array<i32>} : memref<200x64xf32, #tpu.memory_space<vmem>>, vector<1x16xf32>,
        %get3A_263 = vector.shape_cast %get3A_262 : vector<1x16xf32> to vector<16xf32>
        %add3A_264 = arith.addf %scan3A_224, %get3A_263 : vector<16xf32>
        %mul3A_265 = arith.constant 8 : i32
        %mul3A_266 = arith.muli %scan3A_217, %mul3A_265 : i32
        %add3A_267 = arith.constant 1 : i32
        %add3A_268 = arith.addi %mul3A_266, %add3A_267 : i32
        %get3A_269 = arith.constant 0 : i32
        %get3A_270 = arith.constant 0 : i32
        %get3A_271 = tpu.memref_slice %arg6[%scan3A_115, %get3A_269, %get3A_270] : memref<2x200x64xf32, #tpu.memory_space<vmem>> -> memref<1x200x64xf32, #tpu.memory_space<vmem>>
        %get3A_272 = tpu.memref_squeeze %get3A_271 : memref<1x200x64xf32, #tpu.memory_space<vmem>> -> memref<200x64xf32, #tpu.memory_space<vmem>>
        %get3A_273 = arith.index_cast %add3A_268 : i32 to index
        %get3A_274 = arith.constant 0 : index
        %get3A_275 = tpu.vector_load %get3A_272[%get3A_273, %get3A_274] {strides = array<i32>} : memref<200x64xf32, #tpu.memory_space<vmem>>, vector<1x16xf32>,
        %get3A_276 = vector.shape_cast %get3A_275 : vector<1x16xf32> to vector<16xf32>
        %add3A_277 = arith.addf %scan3A_219, %get3A_276 : vector<16xf32>
        %get3A_278 = arith.constant 0 : i32
        %get3A_279 = arith.constant 0 : i32
        %get3A_280 = tpu.memref_slice %arg6[%scan3A_115, %get3A_278, %get3A_279] : memref<2x200x64xf32, #tpu.memory_space<vmem>> -> memref<1x200x64xf32, #tpu.memory_space<vmem>>
        %get3A_281 = tpu.memref_squeeze %get3A_280 : memref<1x200x64xf32, #tpu.memory_space<vmem>> -> memref<200x64xf32, #tpu.memory_space<vmem>>
        %get3A_282 = arith.index_cast %add3A_268 : i32 to index
        %get3A_283 = arith.constant 16 : index
        %get3A_284 = tpu.vector_load %get3A_281[%get3A_282, %get3A_283] {strides = array<i32>} : memref<200x64xf32, #tpu.memory_space<vmem>>, vector<1x16xf32>,
        %get3A_285 = vector.shape_cast %get3A_284 : vector<1x16xf32> to vector<16xf32>
        %add3A_286 = arith.addf %scan3A_221, %get3A_285 : vector<16xf32>
        %get3A_287 = arith.constant 0 : i32
        %get3A_288 = arith.constant 0 : i32
        %get3A_289 = tpu.memref_slice %arg6[%scan3A_115, %get3A_287, %get3A_288] : memref<2x200x64xf32, #tpu.memory_space<vmem>> -> memref<1x200x64xf32, #tpu.memory_space<vmem>>
        %get3A_290 = tpu.memref_squeeze %get3A_289 : memref<1x200x64xf32, #tpu.memory_space<vmem>> -> memref<200x64xf32, #tpu.memory_space<vmem>>
        %get3A_291 = arith.index_cast %add3A_268 : i32 to index
        %get3A_292 = arith.constant 32 : index
        %get3A_293 = tpu.vector_load %get3A_290[%get3A_291, %get3A_292] {strides = array<i32>} : memref<200x64xf32, #tpu.memory_space<vmem>>, vector<1x16xf32>,
        %get3A_294 = vector.shape_cast %get3A_293 : vector<1x16xf32> to vector<16xf32>
        %add3A_295 = arith.addf %scan3A_223, %get3A_294 : vector<16xf32>
        %get3A_296 = arith.constant 0 : i32
        %get3A_297 = arith.constant 0 : i32
        %get3A_298 = tpu.memref_slice %arg6[%scan3A_115, %get3A_296, %get3A_297] : memref<2x200x64xf32, #tpu.memory_space<vmem>> -> memref<1x200x64xf32, #tpu.memory_space<vmem>>
        %get3A_299 = tpu.memref_squeeze %get3A_298 : memref<1x200x64xf32, #tpu.memory_space<vmem>> -> memref<200x64xf32, #tpu.memory_space<vmem>>
        %get3A_300 = arith.index_cast %add3A_268 : i32 to index
        %get3A_301 = arith.constant 48 : index
        %get3A_302 = tpu.vector_load %get3A_299[%get3A_300, %get3A_301] {strides = array<i32>} : memref<200x64xf32, #tpu.memory_space<vmem>>, vector<1x16xf32>,
        %get3A_303 = vector.shape_cast %get3A_302 : vector<1x16xf32> to vector<16xf32>
        %add3A_304 = arith.addf %scan3A_225, %get3A_303 : vector<16xf32>
        %mul3A_305 = arith.constant 8 : i32
        %mul3A_306 = arith.muli %scan3A_217, %mul3A_305 : i32
        %add3A_307 = arith.constant 2 : i32
        %add3A_308 = arith.addi %mul3A_306, %add3A_307 : i32
        %get3A_309 = arith.constant 0 : i32
        %get3A_310 = arith.constant 0 : i32
        %get3A_311 = tpu.memref_slice %arg6[%scan3A_115, %get3A_309, %get3A_310] : memref<2x200x64xf32, #tpu.memory_space<vmem>> -> memref<1x200x64xf32, #tpu.memory_space<vmem>>
        %get3A_312 = tpu.memref_squeeze %get3A_311 : memref<1x200x64xf32, #tpu.memory_space<vmem>> -> memref<200x64xf32, #tpu.memory_space<vmem>>
        %get3A_313 = arith.index_cast %add3A_308 : i32 to index
        %get3A_314 = arith.constant 0 : index
        %get3A_315 = tpu.vector_load %get3A_312[%get3A_313, %get3A_314] {strides = array<i32>} : memref<200x64xf32, #tpu.memory_space<vmem>>, vector<1x16xf32>,
        %get3A_316 = vector.shape_cast %get3A_315 : vector<1x16xf32> to vector<16xf32>
        %add3A_317 = arith.addf %add3A_237, %get3A_316 : vector<16xf32>
        %get3A_318 = arith.constant 0 : i32
        %get3A_319 = arith.constant 0 : i32
        %get3A_320 = tpu.memref_slice %arg6[%scan3A_115, %get3A_318, %get3A_319] : memref<2x200x64xf32, #tpu.memory_space<vmem>> -> memref<1x200x64xf32, #tpu.memory_space<vmem>>
        %get3A_321 = tpu.memref_squeeze %get3A_320 : memref<1x200x64xf32, #tpu.memory_space<vmem>> -> memref<200x64xf32, #tpu.memory_space<vmem>>
        %get3A_322 = arith.index_cast %add3A_308 : i32 to index
        %get3A_323 = arith.constant 16 : index
        %get3A_324 = tpu.vector_load %get3A_321[%get3A_322, %get3A_323] {strides = array<i32>} : memref<200x64xf32, #tpu.memory_space<vmem>>, vector<1x16xf32>,
        %get3A_325 = vector.shape_cast %get3A_324 : vector<1x16xf32> to vector<16xf32>
        %add3A_326 = arith.addf %add3A_246, %get3A_325 : vector<16xf32>
        %get3A_327 = arith.constant 0 : i32
        %get3A_328 = arith.constant 0 : i32
        %get3A_329 = tpu.memref_slice %arg6[%scan3A_115, %get3A_327, %get3A_328] : memref<2x200x64xf32, #tpu.memory_space<vmem>> -> memref<1x200x64xf32, #tpu.memory_space<vmem>>
        %get3A_330 = tpu.memref_squeeze %get3A_329 : memref<1x200x64xf32, #tpu.memory_space<vmem>> -> memref<200x64xf32, #tpu.memory_space<vmem>>
        %get3A_331 = arith.index_cast %add3A_308 : i32 to index
        %get3A_332 = arith.constant 32 : index
        %get3A_333 = tpu.vector_load %get3A_330[%get3A_331, %get3A_332] {strides = array<i32>} : memref<200x64xf32, #tpu.memory_space<vmem>>, vector<1x16xf32>,
        %get3A_334 = vector.shape_cast %get3A_333 : vector<1x16xf32> to vector<16xf32>
        %add3A_335 = arith.addf %add3A_255, %get3A_334 : vector<16xf32>
        %get3A_336 = arith.constant 0 : i32
        %get3A_337 = arith.constant 0 : i32
        %get3A_338 = tpu.memref_slice %arg6[%scan3A_115, %get3A_336, %get3A_337] : memref<2x200x64xf32, #tpu.memory_space<vmem>> -> memref<1x200x64xf32, #tpu.memory_space<vmem>>
        %get3A_339 = tpu.memref_squeeze %get3A_338 : memref<1x200x64xf32, #tpu.memory_space<vmem>> -> memref<200x64xf32, #tpu.memory_space<vmem>>
        %get3A_340 = arith.index_cast %add3A_308 : i32 to index
        %get3A_341 = arith.constant 48 : index
        %get3A_342 = tpu.vector_load %get3A_339[%get3A_340, %get3A_341] {strides = array<i32>} : memref<200x64xf32, #tpu.memory_space<vmem>>, vector<1x16xf32>,
        %get3A_343 = vector.shape_cast %get3A_342 : vector<1x16xf32> to vector<16xf32>
        %add3A_344 = arith.addf %add3A_264, %get3A_343 : vector<16xf32>
        %mul3A_345 = arith.constant 8 : i32
        %mul3A_346 = arith.muli %scan3A_217, %mul3A_345 : i32
        %add3A_347 = arith.constant 3 : i32
        %add3A_348 = arith.addi %mul3A_346, %add3A_347 : i32
        %get3A_349 = arith.constant 0 : i32
        %get3A_350 = arith.constant 0 : i32
        %get3A_351 = tpu.memref_slice %arg6[%scan3A_115, %get3A_349, %get3A_350] : memref<2x200x64xf32, #tpu.memory_space<vmem>> -> memref<1x200x64xf32, #tpu.memory_space<vmem>>
        %get3A_352 = tpu.memref_squeeze %get3A_351 : memref<1x200x64xf32, #tpu.memory_space<vmem>> -> memref<200x64xf32, #tpu.memory_space<vmem>>
        %get3A_353 = arith.index_cast %add3A_348 : i32 to index
        %get3A_354 = arith.constant 0 : index
        %get3A_355 = tpu.vector_load %get3A_352[%get3A_353, %get3A_354] {strides = array<i32>} : memref<200x64xf32, #tpu.memory_space<vmem>>, vector<1x16xf32>,
        %get3A_356 = vector.shape_cast %get3A_355 : vector<1x16xf32> to vector<16xf32>
        %add3A_357 = arith.addf %add3A_277, %get3A_356 : vector<16xf32>
        %get3A_358 = arith.constant 0 : i32
        %get3A_359 = arith.constant 0 : i32
        %get3A_360 = tpu.memref_slice %arg6[%scan3A_115, %get3A_358, %get3A_359] : memref<2x200x64xf32, #tpu.memory_space<vmem>> -> memref<1x200x64xf32, #tpu.memory_space<vmem>>
        %get3A_361 = tpu.memref_squeeze %get3A_360 : memref<1x200x64xf32, #tpu.memory_space<vmem>> -> memref<200x64xf32, #tpu.memory_space<vmem>>
        %get3A_362 = arith.index_cast %add3A_348 : i32 to index
        %get3A_363 = arith.constant 16 : index
        %get3A_364 = tpu.vector_load %get3A_361[%get3A_362, %get3A_363] {strides = array<i32>} : memref<200x64xf32, #tpu.memory_space<vmem>>, vector<1x16xf32>,
        %get3A_365 = vector.shape_cast %get3A_364 : vector<1x16xf32> to vector<16xf32>
        %add3A_366 = arith.addf %add3A_286, %get3A_365 : vector<16xf32>
        %get3A_367 = arith.constant 0 : i32
        %get3A_368 = arith.constant 0 : i32
        %get3A_369 = tpu.memref_slice %arg6[%scan3A_115, %get3A_367, %get3A_368] : memref<2x200x64xf32, #tpu.memory_space<vmem>> -> memref<1x200x64xf32, #tpu.memory_space<vmem>>
        %get3A_370 = tpu.memref_squeeze %get3A_369 : memref<1x200x64xf32, #tpu.memory_space<vmem>> -> memref<200x64xf32, #tpu.memory_space<vmem>>
        %get3A_371 = arith.index_cast %add3A_348 : i32 to index
        %get3A_372 = arith.constant 32 : index
        %get3A_373 = tpu.vector_load %get3A_370[%get3A_371, %get3A_372] {strides = array<i32>} : memref<200x64xf32, #tpu.memory_space<vmem>>, vector<1x16xf32>,
        %get3A_374 = vector.shape_cast %get3A_373 : vector<1x16xf32> to vector<16xf32>
        %add3A_375 = arith.addf %add3A_295, %get3A_374 : vector<16xf32>
        %get3A_376 = arith.constant 0 : i32
        %get3A_377 = arith.constant 0 : i32
        %get3A_378 = tpu.memref_slice %arg6[%scan3A_115, %get3A_376, %get3A_377] : memref<2x200x64xf32, #tpu.memory_space<vmem>> -> memref<1x200x64xf32, #tpu.memory_space<vmem>>
        %get3A_379 = tpu.memref_squeeze %get3A_378 : memref<1x200x64xf32, #tpu.memory_space<vmem>> -> memref<200x64xf32, #tpu.memory_space<vmem>>
        %get3A_380 = arith.index_cast %add3A_348 : i32 to index
        %get3A_381 = arith.constant 48 : index
        %get3A_382 = tpu.vector_load %get3A_379[%get3A_380, %get3A_381] {strides = array<i32>} : memref<200x64xf32, #tpu.memory_space<vmem>>, vector<1x16xf32>,
        %get3A_383 = vector.shape_cast %get3A_382 : vector<1x16xf32> to vector<16xf32>
        %add3A_384 = arith.addf %add3A_304, %get3A_383 : vector<16xf32>
        %mul3A_385 = arith.constant 8 : i32
        %mul3A_386 = arith.muli %scan3A_217, %mul3A_385 : i32
        %add3A_387 = arith.constant 4 : i32
        %add3A_388 = arith.addi %mul3A_386, %add3A_387 : i32
        %get3A_389 = arith.constant 0 : i32
        %get3A_390 = arith.constant 0 : i32
        %get3A_391 = tpu.memref_slice %arg6[%scan3A_115, %get3A_389, %get3A_390] : memref<2x200x64xf32, #tpu.memory_space<vmem>> -> memref<1x200x64xf32, #tpu.memory_space<vmem>>
        %get3A_392 = tpu.memref_squeeze %get3A_391 : memref<1x200x64xf32, #tpu.memory_space<vmem>> -> memref<200x64xf32, #tpu.memory_space<vmem>>
        %get3A_393 = arith.index_cast %add3A_388 : i32 to index
        %get3A_394 = arith.constant 0 : index
        %get3A_395 = tpu.vector_load %get3A_392[%get3A_393, %get3A_394] {strides = array<i32>} : memref<200x64xf32, #tpu.memory_space<vmem>>, vector<1x16xf32>,
        %get3A_396 = vector.shape_cast %get3A_395 : vector<1x16xf32> to vector<16xf32>
        %add3A_397 = arith.addf %add3A_317, %get3A_396 : vector<16xf32>
        %get3A_398 = arith.constant 0 : i32
        %get3A_399 = arith.constant 0 : i32
        %get3A_400 = tpu.memref_slice %arg6[%scan3A_115, %get3A_398, %get3A_399] : memref<2x200x64xf32, #tpu.memory_space<vmem>> -> memref<1x200x64xf32, #tpu.memory_space<vmem>>
        %get3A_401 = tpu.memref_squeeze %get3A_400 : memref<1x200x64xf32, #tpu.memory_space<vmem>> -> memref<200x64xf32, #tpu.memory_space<vmem>>
        %get3A_402 = arith.index_cast %add3A_388 : i32 to index
        %get3A_403 = arith.constant 16 : index
        %get3A_404 = tpu.vector_load %get3A_401[%get3A_402, %get3A_403] {strides = array<i32>} : memref<200x64xf32, #tpu.memory_space<vmem>>, vector<1x16xf32>,
        %get3A_405 = vector.shape_cast %get3A_404 : vector<1x16xf32> to vector<16xf32>
        %add3A_406 = arith.addf %add3A_326, %get3A_405 : vector<16xf32>
        %get3A_407 = arith.constant 0 : i32
        %get3A_408 = arith.constant 0 : i32
        %get3A_409 = tpu.memref_slice %arg6[%scan3A_115, %get3A_407, %get3A_408] : memref<2x200x64xf32, #tpu.memory_space<vmem>> -> memref<1x200x64xf32, #tpu.memory_space<vmem>>
        %get3A_410 = tpu.memref_squeeze %get3A_409 : memref<1x200x64xf32, #tpu.memory_space<vmem>> -> memref<200x64xf32, #tpu.memory_space<vmem>>
        %get3A_411 = arith.index_cast %add3A_388 : i32 to index
        %get3A_412 = arith.constant 32 : index
        %get3A_413 = tpu.vector_load %get3A_410[%get3A_411, %get3A_412] {strides = array<i32>} : memref<200x64xf32, #tpu.memory_space<vmem>>, vector<1x16xf32>,
        %get3A_414 = vector.shape_cast %get3A_413 : vector<1x16xf32> to vector<16xf32>
        %add3A_415 = arith.addf %add3A_335, %get3A_414 : vector<16xf32>
        %get3A_416 = arith.constant 0 : i32
        %get3A_417 = arith.constant 0 : i32
        %get3A_418 = tpu.memref_slice %arg6[%scan3A_115, %get3A_416, %get3A_417] : memref<2x200x64xf32, #tpu.memory_space<vmem>> -> memref<1x200x64xf32, #tpu.memory_space<vmem>>
        %get3A_419 = tpu.memref_squeeze %get3A_418 : memref<1x200x64xf32, #tpu.memory_space<vmem>> -> memref<200x64xf32, #tpu.memory_space<vmem>>
        %get3A_420 = arith.index_cast %add3A_388 : i32 to index
        %get3A_421 = arith.constant 48 : index
        %get3A_422 = tpu.vector_load %get3A_419[%get3A_420, %get3A_421] {strides = array<i32>} : memref<200x64xf32, #tpu.memory_space<vmem>>, vector<1x16xf32>,
        %get3A_423 = vector.shape_cast %get3A_422 : vector<1x16xf32> to vector<16xf32>
        %add3A_424 = arith.addf %add3A_344, %get3A_423 : vector<16xf32>
        %mul3A_425 = arith.constant 8 : i32
        %mul3A_426 = arith.muli %scan3A_217, %mul3A_425 : i32
        %add3A_427 = arith.constant 5 : i32
        %add3A_428 = arith.addi %mul3A_426, %add3A_427 : i32
        %get3A_429 = arith.constant 0 : i32
        %get3A_430 = arith.constant 0 : i32
        %get3A_431 = tpu.memref_slice %arg6[%scan3A_115, %get3A_429, %get3A_430] : memref<2x200x64xf32, #tpu.memory_space<vmem>> -> memref<1x200x64xf32, #tpu.memory_space<vmem>>
        %get3A_432 = tpu.memref_squeeze %get3A_431 : memref<1x200x64xf32, #tpu.memory_space<vmem>> -> memref<200x64xf32, #tpu.memory_space<vmem>>
        %get3A_433 = arith.index_cast %add3A_428 : i32 to index
        %get3A_434 = arith.constant 0 : index
        %get3A_435 = tpu.vector_load %get3A_432[%get3A_433, %get3A_434] {strides = array<i32>} : memref<200x64xf32, #tpu.memory_space<vmem>>, vector<1x16xf32>,
        %get3A_436 = vector.shape_cast %get3A_435 : vector<1x16xf32> to vector<16xf32>
        %add3A_437 = arith.addf %add3A_357, %get3A_436 : vector<16xf32>
        %get3A_438 = arith.constant 0 : i32
        %get3A_439 = arith.constant 0 : i32
        %get3A_440 = tpu.memref_slice %arg6[%scan3A_115, %get3A_438, %get3A_439] : memref<2x200x64xf32, #tpu.memory_space<vmem>> -> memref<1x200x64xf32, #tpu.memory_space<vmem>>
        %get3A_441 = tpu.memref_squeeze %get3A_440 : memref<1x200x64xf32, #tpu.memory_space<vmem>> -> memref<200x64xf32, #tpu.memory_space<vmem>>
        %get3A_442 = arith.index_cast %add3A_428 : i32 to index
        %get3A_443 = arith.constant 16 : index
        %get3A_444 = tpu.vector_load %get3A_441[%get3A_442, %get3A_443] {strides = array<i32>} : memref<200x64xf32, #tpu.memory_space<vmem>>, vector<1x16xf32>,
        %get3A_445 = vector.shape_cast %get3A_444 : vector<1x16xf32> to vector<16xf32>
        %add3A_446 = arith.addf %add3A_366, %get3A_445 : vector<16xf32>
        %get3A_447 = arith.constant 0 : i32
        %get3A_448 = arith.constant 0 : i32
        %get3A_449 = tpu.memref_slice %arg6[%scan3A_115, %get3A_447, %get3A_448] : memref<2x200x64xf32, #tpu.memory_space<vmem>> -> memref<1x200x64xf32, #tpu.memory_space<vmem>>
        %get3A_450 = tpu.memref_squeeze %get3A_449 : memref<1x200x64xf32, #tpu.memory_space<vmem>> -> memref<200x64xf32, #tpu.memory_space<vmem>>
        %get3A_451 = arith.index_cast %add3A_428 : i32 to index
        %get3A_452 = arith.constant 32 : index
        %get3A_453 = tpu.vector_load %get3A_450[%get3A_451, %get3A_452] {strides = array<i32>} : memref<200x64xf32, #tpu.memory_space<vmem>>, vector<1x16xf32>,
        %get3A_454 = vector.shape_cast %get3A_453 : vector<1x16xf32> to vector<16xf32>
        %add3A_455 = arith.addf %add3A_375, %get3A_454 : vector<16xf32>
        %get3A_456 = arith.constant 0 : i32
        %get3A_457 = arith.constant 0 : i32
        %get3A_458 = tpu.memref_slice %arg6[%scan3A_115, %get3A_456, %get3A_457] : memref<2x200x64xf32, #tpu.memory_space<vmem>> -> memref<1x200x64xf32, #tpu.memory_space<vmem>>
        %get3A_459 = tpu.memref_squeeze %get3A_458 : memref<1x200x64xf32, #tpu.memory_space<vmem>> -> memref<200x64xf32, #tpu.memory_space<vmem>>
        %get3A_460 = arith.index_cast %add3A_428 : i32 to index
        %get3A_461 = arith.constant 48 : index
        %get3A_462 = tpu.vector_load %get3A_459[%get3A_460, %get3A_461] {strides = array<i32>} : memref<200x64xf32, #tpu.memory_space<vmem>>, vector<1x16xf32>,
        %get3A_463 = vector.shape_cast %get3A_462 : vector<1x16xf32> to vector<16xf32>
        %add3A_464 = arith.addf %add3A_384, %get3A_463 : vector<16xf32>
        %mul3A_465 = arith.constant 8 : i32
        %mul3A_466 = arith.muli %scan3A_217, %mul3A_465 : i32
        %add3A_467 = arith.constant 6 : i32
        %add3A_468 = arith.addi %mul3A_466, %add3A_467 : i32
        %get3A_469 = arith.constant 0 : i32
        %get3A_470 = arith.constant 0 : i32
        %get3A_471 = tpu.memref_slice %arg6[%scan3A_115, %get3A_469, %get3A_470] : memref<2x200x64xf32, #tpu.memory_space<vmem>> -> memref<1x200x64xf32, #tpu.memory_space<vmem>>
        %get3A_472 = tpu.memref_squeeze %get3A_471 : memref<1x200x64xf32, #tpu.memory_space<vmem>> -> memref<200x64xf32, #tpu.memory_space<vmem>>
        %get3A_473 = arith.index_cast %add3A_468 : i32 to index
        %get3A_474 = arith.constant 0 : index
        %get3A_475 = tpu.vector_load %get3A_472[%get3A_473, %get3A_474] {strides = array<i32>} : memref<200x64xf32, #tpu.memory_space<vmem>>, vector<1x16xf32>,
        %get3A_476 = vector.shape_cast %get3A_475 : vector<1x16xf32> to vector<16xf32>
        %add3A_477 = arith.addf %add3A_397, %get3A_476 : vector<16xf32>
        %get3A_478 = arith.constant 0 : i32
        %get3A_479 = arith.constant 0 : i32
        %get3A_480 = tpu.memref_slice %arg6[%scan3A_115, %get3A_478, %get3A_479] : memref<2x200x64xf32, #tpu.memory_space<vmem>> -> memref<1x200x64xf32, #tpu.memory_space<vmem>>
        %get3A_481 = tpu.memref_squeeze %get3A_480 : memref<1x200x64xf32, #tpu.memory_space<vmem>> -> memref<200x64xf32, #tpu.memory_space<vmem>>
        %get3A_482 = arith.index_cast %add3A_468 : i32 to index
        %get3A_483 = arith.constant 16 : index
        %get3A_484 = tpu.vector_load %get3A_481[%get3A_482, %get3A_483] {strides = array<i32>} : memref<200x64xf32, #tpu.memory_space<vmem>>, vector<1x16xf32>,
        %get3A_485 = vector.shape_cast %get3A_484 : vector<1x16xf32> to vector<16xf32>
        %add3A_486 = arith.addf %add3A_406, %get3A_485 : vector<16xf32>
        %get3A_487 = arith.constant 0 : i32
        %get3A_488 = arith.constant 0 : i32
        %get3A_489 = tpu.memref_slice %arg6[%scan3A_115, %get3A_487, %get3A_488] : memref<2x200x64xf32, #tpu.memory_space<vmem>> -> memref<1x200x64xf32, #tpu.memory_space<vmem>>
        %get3A_490 = tpu.memref_squeeze %get3A_489 : memref<1x200x64xf32, #tpu.memory_space<vmem>> -> memref<200x64xf32, #tpu.memory_space<vmem>>
        %get3A_491 = arith.index_cast %add3A_468 : i32 to index
        %get3A_492 = arith.constant 32 : index
        %get3A_493 = tpu.vector_load %get3A_490[%get3A_491, %get3A_492] {strides = array<i32>} : memref<200x64xf32, #tpu.memory_space<vmem>>, vector<1x16xf32>,
        %get3A_494 = vector.shape_cast %get3A_493 : vector<1x16xf32> to vector<16xf32>
        %add3A_495 = arith.addf %add3A_415, %get3A_494 : vector<16xf32>
        %get3A_496 = arith.constant 0 : i32
        %get3A_497 = arith.constant 0 : i32
        %get3A_498 = tpu.memref_slice %arg6[%scan3A_115, %get3A_496, %get3A_497] : memref<2x200x64xf32, #tpu.memory_space<vmem>> -> memref<1x200x64xf32, #tpu.memory_space<vmem>>
        %get3A_499 = tpu.memref_squeeze %get3A_498 : memref<1x200x64xf32, #tpu.memory_space<vmem>> -> memref<200x64xf32, #tpu.memory_space<vmem>>
        %get3A_500 = arith.index_cast %add3A_468 : i32 to index
        %get3A_501 = arith.constant 48 : index
        %get3A_502 = tpu.vector_load %get3A_499[%get3A_500, %get3A_501] {strides = array<i32>} : memref<200x64xf32, #tpu.memory_space<vmem>>, vector<1x16xf32>,
        %get3A_503 = vector.shape_cast %get3A_502 : vector<1x16xf32> to vector<16xf32>
        %add3A_504 = arith.addf %add3A_424, %get3A_503 : vector<16xf32>
        %mul3A_505 = arith.constant 8 : i32
        %mul3A_506 = arith.muli %scan3A_217, %mul3A_505 : i32
        %add3A_507 = arith.constant 7 : i32
        %add3A_508 = arith.addi %mul3A_506, %add3A_507 : i32
        %get3A_509 = arith.constant 0 : i32
        %get3A_510 = arith.constant 0 : i32
        %get3A_511 = tpu.memref_slice %arg6[%scan3A_115, %get3A_509, %get3A_510] : memref<2x200x64xf32, #tpu.memory_space<vmem>> -> memref<1x200x64xf32, #tpu.memory_space<vmem>>
        %get3A_512 = tpu.memref_squeeze %get3A_511 : memref<1x200x64xf32, #tpu.memory_space<vmem>> -> memref<200x64xf32, #tpu.memory_space<vmem>>
        %get3A_513 = arith.index_cast %add3A_508 : i32 to index
        %get3A_514 = arith.constant 0 : index
        %get3A_515 = tpu.vector_load %get3A_512[%get3A_513, %get3A_514] {strides = array<i32>} : memref<200x64xf32, #tpu.memory_space<vmem>>, vector<1x16xf32>,
        %get3A_516 = vector.shape_cast %get3A_515 : vector<1x16xf32> to vector<16xf32>
        %add3A_517 = arith.addf %add3A_437, %get3A_516 : vector<16xf32>
        %get3A_518 = arith.constant 0 : i32
        %get3A_519 = arith.constant 0 : i32
        %get3A_520 = tpu.memref_slice %arg6[%scan3A_115, %get3A_518, %get3A_519] : memref<2x200x64xf32, #tpu.memory_space<vmem>> -> memref<1x200x64xf32, #tpu.memory_space<vmem>>
        %get3A_521 = tpu.memref_squeeze %get3A_520 : memref<1x200x64xf32, #tpu.memory_space<vmem>> -> memref<200x64xf32, #tpu.memory_space<vmem>>
        %get3A_522 = arith.index_cast %add3A_508 : i32 to index
        %get3A_523 = arith.constant 16 : index
        %get3A_524 = tpu.vector_load %get3A_521[%get3A_522, %get3A_523] {strides = array<i32>} : memref<200x64xf32, #tpu.memory_space<vmem>>, vector<1x16xf32>,
        %get3A_525 = vector.shape_cast %get3A_524 : vector<1x16xf32> to vector<16xf32>
        %add3A_526 = arith.addf %add3A_446, %get3A_525 : vector<16xf32>
        %get3A_527 = arith.constant 0 : i32
        %get3A_528 = arith.constant 0 : i32
        %get3A_529 = tpu.memref_slice %arg6[%scan3A_115, %get3A_527, %get3A_528] : memref<2x200x64xf32, #tpu.memory_space<vmem>> -> memref<1x200x64xf32, #tpu.memory_space<vmem>>
        %get3A_530 = tpu.memref_squeeze %get3A_529 : memref<1x200x64xf32, #tpu.memory_space<vmem>> -> memref<200x64xf32, #tpu.memory_space<vmem>>
        %get3A_531 = arith.index_cast %add3A_508 : i32 to index
        %get3A_532 = arith.constant 32 : index
        %get3A_533 = tpu.vector_load %get3A_530[%get3A_531, %get3A_532] {strides = array<i32>} : memref<200x64xf32, #tpu.memory_space<vmem>>, vector<1x16xf32>,
        %get3A_534 = vector.shape_cast %get3A_533 : vector<1x16xf32> to vector<16xf32>
        %add3A_535 = arith.addf %add3A_455, %get3A_534 : vector<16xf32>
        %get3A_536 = arith.constant 0 : i32
        %get3A_537 = arith.constant 0 : i32
        %get3A_538 = tpu.memref_slice %arg6[%scan3A_115, %get3A_536, %get3A_537] : memref<2x200x64xf32, #tpu.memory_space<vmem>> -> memref<1x200x64xf32, #tpu.memory_space<vmem>>
        %get3A_539 = tpu.memref_squeeze %get3A_538 : memref<1x200x64xf32, #tpu.memory_space<vmem>> -> memref<200x64xf32, #tpu.memory_space<vmem>>
        %get3A_540 = arith.index_cast %add3A_508 : i32 to index
        %get3A_541 = arith.constant 48 : index
        %get3A_542 = tpu.vector_load %get3A_539[%get3A_540, %get3A_541] {strides = array<i32>} : memref<200x64xf32, #tpu.memory_space<vmem>>, vector<1x16xf32>,
        %get3A_543 = vector.shape_cast %get3A_542 : vector<1x16xf32> to vector<16xf32>
        %add3A_544 = arith.addf %add3A_464, %get3A_543 : vector<16xf32>
        scf.yield %add3A_477, %add3A_517, %add3A_486, %add3A_526, %add3A_495, %add3A_535, %add3A_504, %add3A_544 : vector<16xf32>, vector<16xf32>, vector<16xf32>, vector<16xf32>, vector<16xf32>, vector<16xf32>, vector<16xf32>, vector<16xf32>
      }
      %scan3A_121 = arith.constant 25 : i32
      %add3A_122 = arith.addf %scan3A_120#0, %scan3A_120#1 : vector<16xf32>
      %swap3A = arith.index_cast %add3A_81 : i32 to index
      %swap3A_123 = arith.constant 0 : index
      %swap3A_124 = tpu.vector_load %arg7[%swap3A, %swap3A_123] {strides = array<i32>} : memref<128x64xf32, #tpu.memory_space<vmem>>, vector<1x16xf32>,
      %swap3A_125 = vector.shape_cast %swap3A_124 : vector<1x16xf32> to vector<16xf32>
      %swap3A_126 = vector.shape_cast %add3A_122 : vector<16xf32> to vector<1x16xf32>
      tpu.vector_store %arg7[%swap3A, %swap3A_123], %swap3A_126 {strides = array<i32>} : memref<128x64xf32, #tpu.memory_space<vmem>>, vector<1x16xf32>,
      %add3A_127 = arith.addf %scan3A_120#2, %scan3A_120#3 : vector<16xf32>
      %swap3A_128 = arith.index_cast %add3A_81 : i32 to index
      %swap3A_129 = arith.constant 16 : index
      %swap3A_130 = tpu.vector_load %arg7[%swap3A_128, %swap3A_129] {strides = array<i32>} : memref<128x64xf32, #tpu.memory_space<vmem>>, vector<1x16xf32>,
      %swap3A_131 = vector.shape_cast %swap3A_130 : vector<1x16xf32> to vector<16xf32>
      %swap3A_132 = vector.shape_cast %add3A_127 : vector<16xf32> to vector<1x16xf32>
      tpu.vector_store %arg7[%swap3A_128, %swap3A_129], %swap3A_132 {strides = array<i32>} : memref<128x64xf32, #tpu.memory_space<vmem>>, vector<1x16xf32>,
      %add3A_133 = arith.addf %scan3A_120#4, %scan3A_120#5 : vector<16xf32>
      %swap3A_134 = arith.index_cast %add3A_81 : i32 to index
      %swap3A_135 = arith.constant 32 : index
      %swap3A_136 = tpu.vector_load %arg7[%swap3A_134, %swap3A_135] {strides = array<i32>} : memref<128x64xf32, #tpu.memory_space<vmem>>, vector<1x16xf32>,
      %swap3A_137 = vector.shape_cast %swap3A_136 : vector<1x16xf32> to vector<16xf32>
      %swap3A_138 = vector.shape_cast %add3A_133 : vector<16xf32> to vector<1x16xf32>
      tpu.vector_store %arg7[%swap3A_134, %swap3A_135], %swap3A_138 {strides = array<i32>} : memref<128x64xf32, #tpu.memory_space<vmem>>, vector<1x16xf32>,
      %add3A_139 = arith.addf %scan3A_120#6, %scan3A_120#7 : vector<16xf32>
      %swap3A_140 = arith.index_cast %add3A_81 : i32 to index
      %swap3A_141 = arith.constant 48 : index
      %swap3A_142 = tpu.vector_load %arg7[%swap3A_140, %swap3A_141] {strides = array<i32>} : memref<128x64xf32, #tpu.memory_space<vmem>>, vector<1x16xf32>,
      %swap3A_143 = vector.shape_cast %swap3A_142 : vector<1x16xf32> to vector<16xf32>
      %swap3A_144 = vector.shape_cast %add3A_139 : vector<16xf32> to vector<1x16xf32>
      tpu.vector_store %arg7[%swap3A_140, %swap3A_141], %swap3A_144 {strides = array<i32>} : memref<128x64xf32, #tpu.memory_space<vmem>>, vector<1x16xf32>,
      %mul3A_145 = arith.constant 2 : i32
      %mul3A_146 = arith.muli %mul3A_145, %add3A_77 : i32
      %add3A_147 = arith.constant 1 : i32
      %add3A_148 = arith.addi %mul3A_146, %add3A_147 : i32
      %dma_wait3A_149 = arith.constant 1 : i32
      %dma_wait3A_150 = arith.constant 0 : i32
      %dma_wait3A_151 = arith.constant 0 : i32
      %dma_wait3A_152 = tpu.memref_slice %arg6[%dma_wait3A_149, %dma_wait3A_150, %dma_wait3A_151] : memref<2x200x64xf32, #tpu.memory_space<vmem>> -> memref<1x200x64xf32, #tpu.memory_space<vmem>>
      %dma_wait3A_153 = tpu.memref_squeeze %dma_wait3A_152 : memref<1x200x64xf32, #tpu.memory_space<vmem>> -> memref<200x64xf32, #tpu.memory_space<vmem>>
      %dma_wait3A_154 = arith.constant 0 : i32
      %dma_wait3A_155 = arith.constant 0 : i32
      %dma_wait3A_156 = tpu.memref_slice %dma_wait3A_153[%dma_wait3A_154, %dma_wait3A_155] : memref<200x64xf32, #tpu.memory_space<vmem>> -> memref<128x64xf32, #tpu.memory_space<vmem>>
      %dma_wait3A_157 = arith.constant 0 : i32
      %dma_wait3A_158 = tpu.memref_slice %arg5[%add3A_148, %dma_wait3A_157] : memref<128x256xi32, #tpu.memory_space<vmem>> -> memref<1x128xi32, #tpu.memory_space<vmem>>
      %dma_wait3A_159 = tpu.memref_squeeze %dma_wait3A_158 : memref<1x128xi32, #tpu.memory_space<vmem>> -> memref<128xi32, #tpu.memory_space<vmem>>
      %dma_wait3A_160 = arith.constant 0 : i32
      %dma_wait3A_161 = arith.constant 0 : i32
      %dma_wait3A_162 = tpu.memref_slice %arg3[%dma_wait3A_160, %dma_wait3A_161] : memref<1000000x64xf32, #tpu.memory_space<hbm>> -> memref<1000000x64xf32, #tpu.memory_space<hbm>>
      tpu.wait_indirect_dma semaphore(%arg10 : memref<!tpu.dma_semaphore, #tpu.memory_space<semaphore_mem>>) src(%dma_wait3A_162 : memref<1000000x64xf32, #tpu.memory_space<hbm>>) dst(%dma_wait3A_156 : memref<128x64xf32, #tpu.memory_space<vmem>>)
      %dma_wait3A_163 = arith.constant 1 : i32
      %dma_wait3A_164 = arith.constant 0 : i32
      %dma_wait3A_165 = arith.constant 0 : i32
      %dma_wait3A_166 = tpu.memref_slice %arg6[%dma_wait3A_163, %dma_wait3A_164, %dma_wait3A_165] : memref<2x200x64xf32, #tpu.memory_space<vmem>> -> memref<1x200x64xf32, #tpu.memory_space<vmem>>
      %dma_wait3A_167 = tpu.memref_squeeze %dma_wait3A_166 : memref<1x200x64xf32, #tpu.memory_space<vmem>> -> memref<200x64xf32, #tpu.memory_space<vmem>>
      %dma_wait3A_168 = arith.constant 128 : i32
      %dma_wait3A_169 = arith.constant 0 : i32
      %dma_wait3A_170 = tpu.memref_slice %dma_wait3A_167[%dma_wait3A_168, %dma_wait3A_169] : memref<200x64xf32, #tpu.memory_space<vmem>> -> memref<72x64xf32, #tpu.memory_space<vmem>>
      %dma_wait3A_171 = arith.constant 128 : i32
      %dma_wait3A_172 = tpu.memref_slice %arg5[%add3A_148, %dma_wait3A_171] : memref<128x256xi32, #tpu.memory_space<vmem>> -> memref<1x72xi32, #tpu.memory_space<vmem>>
      %dma_wait3A_173 = tpu.memref_squeeze %dma_wait3A_172 : memref<1x72xi32, #tpu.memory_space<vmem>> -> memref<72xi32, #tpu.memory_space<vmem>>
      %dma_wait3A_174 = arith.constant 0 : i32
      %dma_wait3A_175 = arith.constant 0 : i32
      %dma_wait3A_176 = tpu.memref_slice %arg3[%dma_wait3A_174, %dma_wait3A_175] : memref<1000000x64xf32, #tpu.memory_space<hbm>> -> memref<1000000x64xf32, #tpu.memory_space<hbm>>
      tpu.wait_indirect_dma semaphore(%arg10 : memref<!tpu.dma_semaphore, #tpu.memory_space<semaphore_mem>>) src(%dma_wait3A_176 : memref<1000000x64xf32, #tpu.memory_space<hbm>>) dst(%dma_wait3A_170 : memref<72x64xf32, #tpu.memory_space<vmem>>)
      %add3A_177 = arith.constant 2 : i32
      %add3A_178 = arith.addi %add3A_148, %add3A_177 : i32
      %lt3A_179 = arith.constant 128 : i32
      %lt3A_180 = arith.cmpi slt, %add3A_178, %lt3A_179 : i32
      %convert_element_type3A_181 = arith.extui %lt3A_180 : i1 to i32
      %cond3A_182 = arith.constant 0 : i32
      %cond3A_183 = arith.cmpi ne, %convert_element_type3A_181, %cond3A_182 : i32
      scf.if %cond3A_183 {
        %add3A_217 = arith.constant 2 : i32
        %add3A_218 = arith.addi %add3A_148, %add3A_217 : i32
        %dma_start3A_219 = arith.constant 1 : i32
        %dma_start3A_220 = arith.constant 0 : i32
        %dma_start3A_221 = arith.constant 0 : i32
        %dma_start3A_222 = tpu.memref_slice %arg6[%dma_start3A_219, %dma_start3A_220, %dma_start3A_221] : memref<2x200x64xf32, #tpu.memory_space<vmem>> -> memref<1x200x64xf32, #tpu.memory_space<vmem>>
        %dma_start3A_223 = tpu.memref_squeeze %dma_start3A_222 : memref<1x200x64xf32, #tpu.memory_space<vmem>> -> memref<200x64xf32, #tpu.memory_space<vmem>>
        %dma_start3A_224 = arith.constant 0 : i32
        %dma_start3A_225 = arith.constant 0 : i32
        %dma_start3A_226 = tpu.memref_slice %dma_start3A_223[%dma_start3A_224, %dma_start3A_225] : memref<200x64xf32, #tpu.memory_space<vmem>> -> memref<128x64xf32, #tpu.memory_space<vmem>>
        %dma_start3A_227 = arith.constant 0 : i32
        %dma_start3A_228 = tpu.memref_slice %arg5[%add3A_218, %dma_start3A_227] : memref<128x256xi32, #tpu.memory_space<vmem>> -> memref<1x128xi32, #tpu.memory_space<vmem>>
        %dma_start3A_229 = tpu.memref_squeeze %dma_start3A_228 : memref<1x128xi32, #tpu.memory_space<vmem>> -> memref<128xi32, #tpu.memory_space<vmem>>
        %dma_start3A_230 = arith.constant 0 : i32
        %dma_start3A_231 = arith.constant 0 : i32
        %dma_start3A_232 = tpu.memref_slice %arg3[%dma_start3A_230, %dma_start3A_231] : memref<1000000x64xf32, #tpu.memory_space<hbm>> -> memref<1000000x64xf32, #tpu.memory_space<hbm>>
        tpu.enqueue_indirect_dma source(%dma_start3A_232 : memref<1000000x64xf32, #tpu.memory_space<hbm>>) target(%dma_start3A_226 : memref<128x64xf32, #tpu.memory_space<vmem>>) offsets(%dma_start3A_229 : memref<128xi32, #tpu.memory_space<vmem>>) semaphore(%arg10 : memref<!tpu.dma_semaphore, #tpu.memory_space<semaphore_mem>>)
        %dma_start3A_233 = arith.constant 1 : i32
        %dma_start3A_234 = arith.constant 0 : i32
        %dma_start3A_235 = arith.constant 0 : i32
        %dma_start3A_236 = tpu.memref_slice %arg6[%dma_start3A_233, %dma_start3A_234, %dma_start3A_235] : memref<2x200x64xf32, #tpu.memory_space<vmem>> -> memref<1x200x64xf32, #tpu.memory_space<vmem>>
        %dma_start3A_237 = tpu.memref_squeeze %dma_start3A_236 : memref<1x200x64xf32, #tpu.memory_space<vmem>> -> memref<200x64xf32, #tpu.memory_space<vmem>>
        %dma_start3A_238 = arith.constant 128 : i32
        %dma_start3A_239 = arith.constant 0 : i32
        %dma_start3A_240 = tpu.memref_slice %dma_start3A_237[%dma_start3A_238, %dma_start3A_239] : memref<200x64xf32, #tpu.memory_space<vmem>> -> memref<72x64xf32, #tpu.memory_space<vmem>>
        %dma_start3A_241 = arith.constant 128 : i32
        %dma_start3A_242 = tpu.memref_slice %arg5[%add3A_218, %dma_start3A_241] : memref<128x256xi32, #tpu.memory_space<vmem>> -> memref<1x72xi32, #tpu.memory_space<vmem>>
        %dma_start3A_243 = tpu.memref_squeeze %dma_start3A_242 : memref<1x72xi32, #tpu.memory_space<vmem>> -> memref<72xi32, #tpu.memory_space<vmem>>
        %dma_start3A_244 = arith.constant 0 : i32
        %dma_start3A_245 = arith.constant 0 : i32
        %dma_start3A_246 = tpu.memref_slice %arg3[%dma_start3A_244, %dma_start3A_245] : memref<1000000x64xf32, #tpu.memory_space<hbm>> -> memref<1000000x64xf32, #tpu.memory_space<hbm>>
        tpu.enqueue_indirect_dma source(%dma_start3A_246 : memref<1000000x64xf32, #tpu.memory_space<hbm>>) target(%dma_start3A_240 : memref<72x64xf32, #tpu.memory_space<vmem>>) offsets(%dma_start3A_243 : memref<72xi32, #tpu.memory_space<vmem>>) semaphore(%arg10 : memref<!tpu.dma_semaphore, #tpu.memory_space<semaphore_mem>>)
      } else {
      }
      %broadcast_in_dim3A_184 = arith.constant 0.000000e+00 : f32
      %broadcast_in_dim3A_185 = vector.broadcast %broadcast_in_dim3A_184 : f32 to vector<16xf32>
      %scan3A_186 = arith.constant 1 : i32
      %scan3A_187 = arith.constant 0 : i32
      %scan3A_188 = arith.constant 25 : i32
      %scan3A_189 = arith.addi %scan3A_187, %scan3A_188 : i32
      %scan3A_190 = arith.constant 1 : i32
      %scan3A_191:8 = scf.for %scan3A_217 = %scan3A_187 to %scan3A_189 step %scan3A_190 iter_args(%scan3A_218 = %broadcast_in_dim3A_185, %scan3A_219 = %broadcast_in_dim3A_185, %scan3A_220 = %broadcast_in_dim3A_185, %scan3A_221 = %broadcast_in_dim3A_185, %scan3A_222 = %broadcast_in_dim3A_185, %scan3A_223 = %broadcast_in_dim3A_185, %scan3A_224 = %broadcast_in_dim3A_185, %scan3A_225 = %broadcast_in_dim3A_185) -> (vector<16xf32>, vector<16xf32>, vector<16xf32>, vector<16xf32>, vector<16xf32>, vector<16xf32>, vector<16xf32>, vector<16xf32>)  : i32 {
        %mul3A_226 = arith.constant 8 : i32
        %mul3A_227 = arith.muli %scan3A_217, %mul3A_226 : i32
        %add3A_228 = arith.constant 0 : i32
        %add3A_229 = arith.addi %mul3A_227, %add3A_228 : i32
        %get3A = arith.constant 0 : i32
        %get3A_230 = arith.constant 0 : i32
        %get3A_231 = tpu.memref_slice %arg6[%scan3A_186, %get3A, %get3A_230] : memref<2x200x64xf32, #tpu.memory_space<vmem>> -> memref<1x200x64xf32, #tpu.memory_space<vmem>>
        %get3A_232 = tpu.memref_squeeze %get3A_231 : memref<1x200x64xf32, #tpu.memory_space<vmem>> -> memref<200x64xf32, #tpu.memory_space<vmem>>
        %get3A_233 = arith.index_cast %add3A_229 : i32 to index
        %get3A_234 = arith.constant 0 : index
        %get3A_235 = tpu.vector_load %get3A_232[%get3A_233, %get3A_234] {strides = array<i32>} : memref<200x64xf32, #tpu.memory_space<vmem>>, vector<1x16xf32>,
        %get3A_236 = vector.shape_cast %get3A_235 : vector<1x16xf32> to vector<16xf32>
        %add3A_237 = arith.addf %scan3A_218, %get3A_236 : vector<16xf32>
        %get3A_238 = arith.constant 0 : i32
        %get3A_239 = arith.constant 0 : i32
        %get3A_240 = tpu.memref_slice %arg6[%scan3A_186, %get3A_238, %get3A_239] : memref<2x200x64xf32, #tpu.memory_space<vmem>> -> memref<1x200x64xf32, #tpu.memory_space<vmem>>
        %get3A_241 = tpu.memref_squeeze %get3A_240 : memref<1x200x64xf32, #tpu.memory_space<vmem>> -> memref<200x64xf32, #tpu.memory_space<vmem>>
        %get3A_242 = arith.index_cast %add3A_229 : i32 to index
        %get3A_243 = arith.constant 16 : index
        %get3A_244 = tpu.vector_load %get3A_241[%get3A_242, %get3A_243] {strides = array<i32>} : memref<200x64xf32, #tpu.memory_space<vmem>>, vector<1x16xf32>,
        %get3A_245 = vector.shape_cast %get3A_244 : vector<1x16xf32> to vector<16xf32>
        %add3A_246 = arith.addf %scan3A_220, %get3A_245 : vector<16xf32>
        %get3A_247 = arith.constant 0 : i32
        %get3A_248 = arith.constant 0 : i32
        %get3A_249 = tpu.memref_slice %arg6[%scan3A_186, %get3A_247, %get3A_248] : memref<2x200x64xf32, #tpu.memory_space<vmem>> -> memref<1x200x64xf32, #tpu.memory_space<vmem>>
        %get3A_250 = tpu.memref_squeeze %get3A_249 : memref<1x200x64xf32, #tpu.memory_space<vmem>> -> memref<200x64xf32, #tpu.memory_space<vmem>>
        %get3A_251 = arith.index_cast %add3A_229 : i32 to index
        %get3A_252 = arith.constant 32 : index
        %get3A_253 = tpu.vector_load %get3A_250[%get3A_251, %get3A_252] {strides = array<i32>} : memref<200x64xf32, #tpu.memory_space<vmem>>, vector<1x16xf32>,
        %get3A_254 = vector.shape_cast %get3A_253 : vector<1x16xf32> to vector<16xf32>
        %add3A_255 = arith.addf %scan3A_222, %get3A_254 : vector<16xf32>
        %get3A_256 = arith.constant 0 : i32
        %get3A_257 = arith.constant 0 : i32
        %get3A_258 = tpu.memref_slice %arg6[%scan3A_186, %get3A_256, %get3A_257] : memref<2x200x64xf32, #tpu.memory_space<vmem>> -> memref<1x200x64xf32, #tpu.memory_space<vmem>>
        %get3A_259 = tpu.memref_squeeze %get3A_258 : memref<1x200x64xf32, #tpu.memory_space<vmem>> -> memref<200x64xf32, #tpu.memory_space<vmem>>
        %get3A_260 = arith.index_cast %add3A_229 : i32 to index
        %get3A_261 = arith.constant 48 : index
        %get3A_262 = tpu.vector_load %get3A_259[%get3A_260, %get3A_261] {strides = array<i32>} : memref<200x64xf32, #tpu.memory_space<vmem>>, vector<1x16xf32>,
        %get3A_263 = vector.shape_cast %get3A_262 : vector<1x16xf32> to vector<16xf32>
        %add3A_264 = arith.addf %scan3A_224, %get3A_263 : vector<16xf32>
        %mul3A_265 = arith.constant 8 : i32
        %mul3A_266 = arith.muli %scan3A_217, %mul3A_265 : i32
        %add3A_267 = arith.constant 1 : i32
        %add3A_268 = arith.addi %mul3A_266, %add3A_267 : i32
        %get3A_269 = arith.constant 0 : i32
        %get3A_270 = arith.constant 0 : i32
        %get3A_271 = tpu.memref_slice %arg6[%scan3A_186, %get3A_269, %get3A_270] : memref<2x200x64xf32, #tpu.memory_space<vmem>> -> memref<1x200x64xf32, #tpu.memory_space<vmem>>
        %get3A_272 = tpu.memref_squeeze %get3A_271 : memref<1x200x64xf32, #tpu.memory_space<vmem>> -> memref<200x64xf32, #tpu.memory_space<vmem>>
        %get3A_273 = arith.index_cast %add3A_268 : i32 to index
        %get3A_274 = arith.constant 0 : index
        %get3A_275 = tpu.vector_load %get3A_272[%get3A_273, %get3A_274] {strides = array<i32>} : memref<200x64xf32, #tpu.memory_space<vmem>>, vector<1x16xf32>,
        %get3A_276 = vector.shape_cast %get3A_275 : vector<1x16xf32> to vector<16xf32>
        %add3A_277 = arith.addf %scan3A_219, %get3A_276 : vector<16xf32>
        %get3A_278 = arith.constant 0 : i32
        %get3A_279 = arith.constant 0 : i32
        %get3A_280 = tpu.memref_slice %arg6[%scan3A_186, %get3A_278, %get3A_279] : memref<2x200x64xf32, #tpu.memory_space<vmem>> -> memref<1x200x64xf32, #tpu.memory_space<vmem>>
        %get3A_281 = tpu.memref_squeeze %get3A_280 : memref<1x200x64xf32, #tpu.memory_space<vmem>> -> memref<200x64xf32, #tpu.memory_space<vmem>>
        %get3A_282 = arith.index_cast %add3A_268 : i32 to index
        %get3A_283 = arith.constant 16 : index
        %get3A_284 = tpu.vector_load %get3A_281[%get3A_282, %get3A_283] {strides = array<i32>} : memref<200x64xf32, #tpu.memory_space<vmem>>, vector<1x16xf32>,
        %get3A_285 = vector.shape_cast %get3A_284 : vector<1x16xf32> to vector<16xf32>
        %add3A_286 = arith.addf %scan3A_221, %get3A_285 : vector<16xf32>
        %get3A_287 = arith.constant 0 : i32
        %get3A_288 = arith.constant 0 : i32
        %get3A_289 = tpu.memref_slice %arg6[%scan3A_186, %get3A_287, %get3A_288] : memref<2x200x64xf32, #tpu.memory_space<vmem>> -> memref<1x200x64xf32, #tpu.memory_space<vmem>>
        %get3A_290 = tpu.memref_squeeze %get3A_289 : memref<1x200x64xf32, #tpu.memory_space<vmem>> -> memref<200x64xf32, #tpu.memory_space<vmem>>
        %get3A_291 = arith.index_cast %add3A_268 : i32 to index
        %get3A_292 = arith.constant 32 : index
        %get3A_293 = tpu.vector_load %get3A_290[%get3A_291, %get3A_292] {strides = array<i32>} : memref<200x64xf32, #tpu.memory_space<vmem>>, vector<1x16xf32>,
        %get3A_294 = vector.shape_cast %get3A_293 : vector<1x16xf32> to vector<16xf32>
        %add3A_295 = arith.addf %scan3A_223, %get3A_294 : vector<16xf32>
        %get3A_296 = arith.constant 0 : i32
        %get3A_297 = arith.constant 0 : i32
        %get3A_298 = tpu.memref_slice %arg6[%scan3A_186, %get3A_296, %get3A_297] : memref<2x200x64xf32, #tpu.memory_space<vmem>> -> memref<1x200x64xf32, #tpu.memory_space<vmem>>
        %get3A_299 = tpu.memref_squeeze %get3A_298 : memref<1x200x64xf32, #tpu.memory_space<vmem>> -> memref<200x64xf32, #tpu.memory_space<vmem>>
        %get3A_300 = arith.index_cast %add3A_268 : i32 to index
        %get3A_301 = arith.constant 48 : index
        %get3A_302 = tpu.vector_load %get3A_299[%get3A_300, %get3A_301] {strides = array<i32>} : memref<200x64xf32, #tpu.memory_space<vmem>>, vector<1x16xf32>,
        %get3A_303 = vector.shape_cast %get3A_302 : vector<1x16xf32> to vector<16xf32>
        %add3A_304 = arith.addf %scan3A_225, %get3A_303 : vector<16xf32>
        %mul3A_305 = arith.constant 8 : i32
        %mul3A_306 = arith.muli %scan3A_217, %mul3A_305 : i32
        %add3A_307 = arith.constant 2 : i32
        %add3A_308 = arith.addi %mul3A_306, %add3A_307 : i32
        %get3A_309 = arith.constant 0 : i32
        %get3A_310 = arith.constant 0 : i32
        %get3A_311 = tpu.memref_slice %arg6[%scan3A_186, %get3A_309, %get3A_310] : memref<2x200x64xf32, #tpu.memory_space<vmem>> -> memref<1x200x64xf32, #tpu.memory_space<vmem>>
        %get3A_312 = tpu.memref_squeeze %get3A_311 : memref<1x200x64xf32, #tpu.memory_space<vmem>> -> memref<200x64xf32, #tpu.memory_space<vmem>>
        %get3A_313 = arith.index_cast %add3A_308 : i32 to index
        %get3A_314 = arith.constant 0 : index
        %get3A_315 = tpu.vector_load %get3A_312[%get3A_313, %get3A_314] {strides = array<i32>} : memref<200x64xf32, #tpu.memory_space<vmem>>, vector<1x16xf32>,
        %get3A_316 = vector.shape_cast %get3A_315 : vector<1x16xf32> to vector<16xf32>
        %add3A_317 = arith.addf %add3A_237, %get3A_316 : vector<16xf32>
        %get3A_318 = arith.constant 0 : i32
        %get3A_319 = arith.constant 0 : i32
        %get3A_320 = tpu.memref_slice %arg6[%scan3A_186, %get3A_318, %get3A_319] : memref<2x200x64xf32, #tpu.memory_space<vmem>> -> memref<1x200x64xf32, #tpu.memory_space<vmem>>
        %get3A_321 = tpu.memref_squeeze %get3A_320 : memref<1x200x64xf32, #tpu.memory_space<vmem>> -> memref<200x64xf32, #tpu.memory_space<vmem>>
        %get3A_322 = arith.index_cast %add3A_308 : i32 to index
        %get3A_323 = arith.constant 16 : index
        %get3A_324 = tpu.vector_load %get3A_321[%get3A_322, %get3A_323] {strides = array<i32>} : memref<200x64xf32, #tpu.memory_space<vmem>>, vector<1x16xf32>,
        %get3A_325 = vector.shape_cast %get3A_324 : vector<1x16xf32> to vector<16xf32>
        %add3A_326 = arith.addf %add3A_246, %get3A_325 : vector<16xf32>
        %get3A_327 = arith.constant 0 : i32
        %get3A_328 = arith.constant 0 : i32
        %get3A_329 = tpu.memref_slice %arg6[%scan3A_186, %get3A_327, %get3A_328] : memref<2x200x64xf32, #tpu.memory_space<vmem>> -> memref<1x200x64xf32, #tpu.memory_space<vmem>>
        %get3A_330 = tpu.memref_squeeze %get3A_329 : memref<1x200x64xf32, #tpu.memory_space<vmem>> -> memref<200x64xf32, #tpu.memory_space<vmem>>
        %get3A_331 = arith.index_cast %add3A_308 : i32 to index
        %get3A_332 = arith.constant 32 : index
        %get3A_333 = tpu.vector_load %get3A_330[%get3A_331, %get3A_332] {strides = array<i32>} : memref<200x64xf32, #tpu.memory_space<vmem>>, vector<1x16xf32>,
        %get3A_334 = vector.shape_cast %get3A_333 : vector<1x16xf32> to vector<16xf32>
        %add3A_335 = arith.addf %add3A_255, %get3A_334 : vector<16xf32>
        %get3A_336 = arith.constant 0 : i32
        %get3A_337 = arith.constant 0 : i32
        %get3A_338 = tpu.memref_slice %arg6[%scan3A_186, %get3A_336, %get3A_337] : memref<2x200x64xf32, #tpu.memory_space<vmem>> -> memref<1x200x64xf32, #tpu.memory_space<vmem>>
        %get3A_339 = tpu.memref_squeeze %get3A_338 : memref<1x200x64xf32, #tpu.memory_space<vmem>> -> memref<200x64xf32, #tpu.memory_space<vmem>>
        %get3A_340 = arith.index_cast %add3A_308 : i32 to index
        %get3A_341 = arith.constant 48 : index
        %get3A_342 = tpu.vector_load %get3A_339[%get3A_340, %get3A_341] {strides = array<i32>} : memref<200x64xf32, #tpu.memory_space<vmem>>, vector<1x16xf32>,
        %get3A_343 = vector.shape_cast %get3A_342 : vector<1x16xf32> to vector<16xf32>
        %add3A_344 = arith.addf %add3A_264, %get3A_343 : vector<16xf32>
        %mul3A_345 = arith.constant 8 : i32
        %mul3A_346 = arith.muli %scan3A_217, %mul3A_345 : i32
        %add3A_347 = arith.constant 3 : i32
        %add3A_348 = arith.addi %mul3A_346, %add3A_347 : i32
        %get3A_349 = arith.constant 0 : i32
        %get3A_350 = arith.constant 0 : i32
        %get3A_351 = tpu.memref_slice %arg6[%scan3A_186, %get3A_349, %get3A_350] : memref<2x200x64xf32, #tpu.memory_space<vmem>> -> memref<1x200x64xf32, #tpu.memory_space<vmem>>
        %get3A_352 = tpu.memref_squeeze %get3A_351 : memref<1x200x64xf32, #tpu.memory_space<vmem>> -> memref<200x64xf32, #tpu.memory_space<vmem>>
        %get3A_353 = arith.index_cast %add3A_348 : i32 to index
        %get3A_354 = arith.constant 0 : index
        %get3A_355 = tpu.vector_load %get3A_352[%get3A_353, %get3A_354] {strides = array<i32>} : memref<200x64xf32, #tpu.memory_space<vmem>>, vector<1x16xf32>,
        %get3A_356 = vector.shape_cast %get3A_355 : vector<1x16xf32> to vector<16xf32>
        %add3A_357 = arith.addf %add3A_277, %get3A_356 : vector<16xf32>
        %get3A_358 = arith.constant 0 : i32
        %get3A_359 = arith.constant 0 : i32
        %get3A_360 = tpu.memref_slice %arg6[%scan3A_186, %get3A_358, %get3A_359] : memref<2x200x64xf32, #tpu.memory_space<vmem>> -> memref<1x200x64xf32, #tpu.memory_space<vmem>>
        %get3A_361 = tpu.memref_squeeze %get3A_360 : memref<1x200x64xf32, #tpu.memory_space<vmem>> -> memref<200x64xf32, #tpu.memory_space<vmem>>
        %get3A_362 = arith.index_cast %add3A_348 : i32 to index
        %get3A_363 = arith.constant 16 : index
        %get3A_364 = tpu.vector_load %get3A_361[%get3A_362, %get3A_363] {strides = array<i32>} : memref<200x64xf32, #tpu.memory_space<vmem>>, vector<1x16xf32>,
        %get3A_365 = vector.shape_cast %get3A_364 : vector<1x16xf32> to vector<16xf32>
        %add3A_366 = arith.addf %add3A_286, %get3A_365 : vector<16xf32>
        %get3A_367 = arith.constant 0 : i32
        %get3A_368 = arith.constant 0 : i32
        %get3A_369 = tpu.memref_slice %arg6[%scan3A_186, %get3A_367, %get3A_368] : memref<2x200x64xf32, #tpu.memory_space<vmem>> -> memref<1x200x64xf32, #tpu.memory_space<vmem>>
        %get3A_370 = tpu.memref_squeeze %get3A_369 : memref<1x200x64xf32, #tpu.memory_space<vmem>> -> memref<200x64xf32, #tpu.memory_space<vmem>>
        %get3A_371 = arith.index_cast %add3A_348 : i32 to index
        %get3A_372 = arith.constant 32 : index
        %get3A_373 = tpu.vector_load %get3A_370[%get3A_371, %get3A_372] {strides = array<i32>} : memref<200x64xf32, #tpu.memory_space<vmem>>, vector<1x16xf32>,
        %get3A_374 = vector.shape_cast %get3A_373 : vector<1x16xf32> to vector<16xf32>
        %add3A_375 = arith.addf %add3A_295, %get3A_374 : vector<16xf32>
        %get3A_376 = arith.constant 0 : i32
        %get3A_377 = arith.constant 0 : i32
        %get3A_378 = tpu.memref_slice %arg6[%scan3A_186, %get3A_376, %get3A_377] : memref<2x200x64xf32, #tpu.memory_space<vmem>> -> memref<1x200x64xf32, #tpu.memory_space<vmem>>
        %get3A_379 = tpu.memref_squeeze %get3A_378 : memref<1x200x64xf32, #tpu.memory_space<vmem>> -> memref<200x64xf32, #tpu.memory_space<vmem>>
        %get3A_380 = arith.index_cast %add3A_348 : i32 to index
        %get3A_381 = arith.constant 48 : index
        %get3A_382 = tpu.vector_load %get3A_379[%get3A_380, %get3A_381] {strides = array<i32>} : memref<200x64xf32, #tpu.memory_space<vmem>>, vector<1x16xf32>,
        %get3A_383 = vector.shape_cast %get3A_382 : vector<1x16xf32> to vector<16xf32>
        %add3A_384 = arith.addf %add3A_304, %get3A_383 : vector<16xf32>
        %mul3A_385 = arith.constant 8 : i32
        %mul3A_386 = arith.muli %scan3A_217, %mul3A_385 : i32
        %add3A_387 = arith.constant 4 : i32
        %add3A_388 = arith.addi %mul3A_386, %add3A_387 : i32
        %get3A_389 = arith.constant 0 : i32
        %get3A_390 = arith.constant 0 : i32
        %get3A_391 = tpu.memref_slice %arg6[%scan3A_186, %get3A_389, %get3A_390] : memref<2x200x64xf32, #tpu.memory_space<vmem>> -> memref<1x200x64xf32, #tpu.memory_space<vmem>>
        %get3A_392 = tpu.memref_squeeze %get3A_391 : memref<1x200x64xf32, #tpu.memory_space<vmem>> -> memref<200x64xf32, #tpu.memory_space<vmem>>
        %get3A_393 = arith.index_cast %add3A_388 : i32 to index
        %get3A_394 = arith.constant 0 : index
        %get3A_395 = tpu.vector_load %get3A_392[%get3A_393, %get3A_394] {strides = array<i32>} : memref<200x64xf32, #tpu.memory_space<vmem>>, vector<1x16xf32>,
        %get3A_396 = vector.shape_cast %get3A_395 : vector<1x16xf32> to vector<16xf32>
        %add3A_397 = arith.addf %add3A_317, %get3A_396 : vector<16xf32>
        %get3A_398 = arith.constant 0 : i32
        %get3A_399 = arith.constant 0 : i32
        %get3A_400 = tpu.memref_slice %arg6[%scan3A_186, %get3A_398, %get3A_399] : memref<2x200x64xf32, #tpu.memory_space<vmem>> -> memref<1x200x64xf32, #tpu.memory_space<vmem>>
        %get3A_401 = tpu.memref_squeeze %get3A_400 : memref<1x200x64xf32, #tpu.memory_space<vmem>> -> memref<200x64xf32, #tpu.memory_space<vmem>>
        %get3A_402 = arith.index_cast %add3A_388 : i32 to index
        %get3A_403 = arith.constant 16 : index
        %get3A_404 = tpu.vector_load %get3A_401[%get3A_402, %get3A_403] {strides = array<i32>} : memref<200x64xf32, #tpu.memory_space<vmem>>, vector<1x16xf32>,
        %get3A_405 = vector.shape_cast %get3A_404 : vector<1x16xf32> to vector<16xf32>
        %add3A_406 = arith.addf %add3A_326, %get3A_405 : vector<16xf32>
        %get3A_407 = arith.constant 0 : i32
        %get3A_408 = arith.constant 0 : i32
        %get3A_409 = tpu.memref_slice %arg6[%scan3A_186, %get3A_407, %get3A_408] : memref<2x200x64xf32, #tpu.memory_space<vmem>> -> memref<1x200x64xf32, #tpu.memory_space<vmem>>
        %get3A_410 = tpu.memref_squeeze %get3A_409 : memref<1x200x64xf32, #tpu.memory_space<vmem>> -> memref<200x64xf32, #tpu.memory_space<vmem>>
        %get3A_411 = arith.index_cast %add3A_388 : i32 to index
        %get3A_412 = arith.constant 32 : index
        %get3A_413 = tpu.vector_load %get3A_410[%get3A_411, %get3A_412] {strides = array<i32>} : memref<200x64xf32, #tpu.memory_space<vmem>>, vector<1x16xf32>,
        %get3A_414 = vector.shape_cast %get3A_413 : vector<1x16xf32> to vector<16xf32>
        %add3A_415 = arith.addf %add3A_335, %get3A_414 : vector<16xf32>
        %get3A_416 = arith.constant 0 : i32
        %get3A_417 = arith.constant 0 : i32
        %get3A_418 = tpu.memref_slice %arg6[%scan3A_186, %get3A_416, %get3A_417] : memref<2x200x64xf32, #tpu.memory_space<vmem>> -> memref<1x200x64xf32, #tpu.memory_space<vmem>>
        %get3A_419 = tpu.memref_squeeze %get3A_418 : memref<1x200x64xf32, #tpu.memory_space<vmem>> -> memref<200x64xf32, #tpu.memory_space<vmem>>
        %get3A_420 = arith.index_cast %add3A_388 : i32 to index
        %get3A_421 = arith.constant 48 : index
        %get3A_422 = tpu.vector_load %get3A_419[%get3A_420, %get3A_421] {strides = array<i32>} : memref<200x64xf32, #tpu.memory_space<vmem>>, vector<1x16xf32>,
        %get3A_423 = vector.shape_cast %get3A_422 : vector<1x16xf32> to vector<16xf32>
        %add3A_424 = arith.addf %add3A_344, %get3A_423 : vector<16xf32>
        %mul3A_425 = arith.constant 8 : i32
        %mul3A_426 = arith.muli %scan3A_217, %mul3A_425 : i32
        %add3A_427 = arith.constant 5 : i32
        %add3A_428 = arith.addi %mul3A_426, %add3A_427 : i32
        %get3A_429 = arith.constant 0 : i32
        %get3A_430 = arith.constant 0 : i32
        %get3A_431 = tpu.memref_slice %arg6[%scan3A_186, %get3A_429, %get3A_430] : memref<2x200x64xf32, #tpu.memory_space<vmem>> -> memref<1x200x64xf32, #tpu.memory_space<vmem>>
        %get3A_432 = tpu.memref_squeeze %get3A_431 : memref<1x200x64xf32, #tpu.memory_space<vmem>> -> memref<200x64xf32, #tpu.memory_space<vmem>>
        %get3A_433 = arith.index_cast %add3A_428 : i32 to index
        %get3A_434 = arith.constant 0 : index
        %get3A_435 = tpu.vector_load %get3A_432[%get3A_433, %get3A_434] {strides = array<i32>} : memref<200x64xf32, #tpu.memory_space<vmem>>, vector<1x16xf32>,
        %get3A_436 = vector.shape_cast %get3A_435 : vector<1x16xf32> to vector<16xf32>
        %add3A_437 = arith.addf %add3A_357, %get3A_436 : vector<16xf32>
        %get3A_438 = arith.constant 0 : i32
        %get3A_439 = arith.constant 0 : i32
        %get3A_440 = tpu.memref_slice %arg6[%scan3A_186, %get3A_438, %get3A_439] : memref<2x200x64xf32, #tpu.memory_space<vmem>> -> memref<1x200x64xf32, #tpu.memory_space<vmem>>
        %get3A_441 = tpu.memref_squeeze %get3A_440 : memref<1x200x64xf32, #tpu.memory_space<vmem>> -> memref<200x64xf32, #tpu.memory_space<vmem>>
        %get3A_442 = arith.index_cast %add3A_428 : i32 to index
        %get3A_443 = arith.constant 16 : index
        %get3A_444 = tpu.vector_load %get3A_441[%get3A_442, %get3A_443] {strides = array<i32>} : memref<200x64xf32, #tpu.memory_space<vmem>>, vector<1x16xf32>,
        %get3A_445 = vector.shape_cast %get3A_444 : vector<1x16xf32> to vector<16xf32>
        %add3A_446 = arith.addf %add3A_366, %get3A_445 : vector<16xf32>
        %get3A_447 = arith.constant 0 : i32
        %get3A_448 = arith.constant 0 : i32
        %get3A_449 = tpu.memref_slice %arg6[%scan3A_186, %get3A_447, %get3A_448] : memref<2x200x64xf32, #tpu.memory_space<vmem>> -> memref<1x200x64xf32, #tpu.memory_space<vmem>>
        %get3A_450 = tpu.memref_squeeze %get3A_449 : memref<1x200x64xf32, #tpu.memory_space<vmem>> -> memref<200x64xf32, #tpu.memory_space<vmem>>
        %get3A_451 = arith.index_cast %add3A_428 : i32 to index
        %get3A_452 = arith.constant 32 : index
        %get3A_453 = tpu.vector_load %get3A_450[%get3A_451, %get3A_452] {strides = array<i32>} : memref<200x64xf32, #tpu.memory_space<vmem>>, vector<1x16xf32>,
        %get3A_454 = vector.shape_cast %get3A_453 : vector<1x16xf32> to vector<16xf32>
        %add3A_455 = arith.addf %add3A_375, %get3A_454 : vector<16xf32>
        %get3A_456 = arith.constant 0 : i32
        %get3A_457 = arith.constant 0 : i32
        %get3A_458 = tpu.memref_slice %arg6[%scan3A_186, %get3A_456, %get3A_457] : memref<2x200x64xf32, #tpu.memory_space<vmem>> -> memref<1x200x64xf32, #tpu.memory_space<vmem>>
        %get3A_459 = tpu.memref_squeeze %get3A_458 : memref<1x200x64xf32, #tpu.memory_space<vmem>> -> memref<200x64xf32, #tpu.memory_space<vmem>>
        %get3A_460 = arith.index_cast %add3A_428 : i32 to index
        %get3A_461 = arith.constant 48 : index
        %get3A_462 = tpu.vector_load %get3A_459[%get3A_460, %get3A_461] {strides = array<i32>} : memref<200x64xf32, #tpu.memory_space<vmem>>, vector<1x16xf32>,
        %get3A_463 = vector.shape_cast %get3A_462 : vector<1x16xf32> to vector<16xf32>
        %add3A_464 = arith.addf %add3A_384, %get3A_463 : vector<16xf32>
        %mul3A_465 = arith.constant 8 : i32
        %mul3A_466 = arith.muli %scan3A_217, %mul3A_465 : i32
        %add3A_467 = arith.constant 6 : i32
        %add3A_468 = arith.addi %mul3A_466, %add3A_467 : i32
        %get3A_469 = arith.constant 0 : i32
        %get3A_470 = arith.constant 0 : i32
        %get3A_471 = tpu.memref_slice %arg6[%scan3A_186, %get3A_469, %get3A_470] : memref<2x200x64xf32, #tpu.memory_space<vmem>> -> memref<1x200x64xf32, #tpu.memory_space<vmem>>
        %get3A_472 = tpu.memref_squeeze %get3A_471 : memref<1x200x64xf32, #tpu.memory_space<vmem>> -> memref<200x64xf32, #tpu.memory_space<vmem>>
        %get3A_473 = arith.index_cast %add3A_468 : i32 to index
        %get3A_474 = arith.constant 0 : index
        %get3A_475 = tpu.vector_load %get3A_472[%get3A_473, %get3A_474] {strides = array<i32>} : memref<200x64xf32, #tpu.memory_space<vmem>>, vector<1x16xf32>,
        %get3A_476 = vector.shape_cast %get3A_475 : vector<1x16xf32> to vector<16xf32>
        %add3A_477 = arith.addf %add3A_397, %get3A_476 : vector<16xf32>
        %get3A_478 = arith.constant 0 : i32
        %get3A_479 = arith.constant 0 : i32
        %get3A_480 = tpu.memref_slice %arg6[%scan3A_186, %get3A_478, %get3A_479] : memref<2x200x64xf32, #tpu.memory_space<vmem>> -> memref<1x200x64xf32, #tpu.memory_space<vmem>>
        %get3A_481 = tpu.memref_squeeze %get3A_480 : memref<1x200x64xf32, #tpu.memory_space<vmem>> -> memref<200x64xf32, #tpu.memory_space<vmem>>
        %get3A_482 = arith.index_cast %add3A_468 : i32 to index
        %get3A_483 = arith.constant 16 : index
        %get3A_484 = tpu.vector_load %get3A_481[%get3A_482, %get3A_483] {strides = array<i32>} : memref<200x64xf32, #tpu.memory_space<vmem>>, vector<1x16xf32>,
        %get3A_485 = vector.shape_cast %get3A_484 : vector<1x16xf32> to vector<16xf32>
        %add3A_486 = arith.addf %add3A_406, %get3A_485 : vector<16xf32>
        %get3A_487 = arith.constant 0 : i32
        %get3A_488 = arith.constant 0 : i32
        %get3A_489 = tpu.memref_slice %arg6[%scan3A_186, %get3A_487, %get3A_488] : memref<2x200x64xf32, #tpu.memory_space<vmem>> -> memref<1x200x64xf32, #tpu.memory_space<vmem>>
        %get3A_490 = tpu.memref_squeeze %get3A_489 : memref<1x200x64xf32, #tpu.memory_space<vmem>> -> memref<200x64xf32, #tpu.memory_space<vmem>>
        %get3A_491 = arith.index_cast %add3A_468 : i32 to index
        %get3A_492 = arith.constant 32 : index
        %get3A_493 = tpu.vector_load %get3A_490[%get3A_491, %get3A_492] {strides = array<i32>} : memref<200x64xf32, #tpu.memory_space<vmem>>, vector<1x16xf32>,
        %get3A_494 = vector.shape_cast %get3A_493 : vector<1x16xf32> to vector<16xf32>
        %add3A_495 = arith.addf %add3A_415, %get3A_494 : vector<16xf32>
        %get3A_496 = arith.constant 0 : i32
        %get3A_497 = arith.constant 0 : i32
        %get3A_498 = tpu.memref_slice %arg6[%scan3A_186, %get3A_496, %get3A_497] : memref<2x200x64xf32, #tpu.memory_space<vmem>> -> memref<1x200x64xf32, #tpu.memory_space<vmem>>
        %get3A_499 = tpu.memref_squeeze %get3A_498 : memref<1x200x64xf32, #tpu.memory_space<vmem>> -> memref<200x64xf32, #tpu.memory_space<vmem>>
        %get3A_500 = arith.index_cast %add3A_468 : i32 to index
        %get3A_501 = arith.constant 48 : index
        %get3A_502 = tpu.vector_load %get3A_499[%get3A_500, %get3A_501] {strides = array<i32>} : memref<200x64xf32, #tpu.memory_space<vmem>>, vector<1x16xf32>,
        %get3A_503 = vector.shape_cast %get3A_502 : vector<1x16xf32> to vector<16xf32>
        %add3A_504 = arith.addf %add3A_424, %get3A_503 : vector<16xf32>
        %mul3A_505 = arith.constant 8 : i32
        %mul3A_506 = arith.muli %scan3A_217, %mul3A_505 : i32
        %add3A_507 = arith.constant 7 : i32
        %add3A_508 = arith.addi %mul3A_506, %add3A_507 : i32
        %get3A_509 = arith.constant 0 : i32
        %get3A_510 = arith.constant 0 : i32
        %get3A_511 = tpu.memref_slice %arg6[%scan3A_186, %get3A_509, %get3A_510] : memref<2x200x64xf32, #tpu.memory_space<vmem>> -> memref<1x200x64xf32, #tpu.memory_space<vmem>>
        %get3A_512 = tpu.memref_squeeze %get3A_511 : memref<1x200x64xf32, #tpu.memory_space<vmem>> -> memref<200x64xf32, #tpu.memory_space<vmem>>
        %get3A_513 = arith.index_cast %add3A_508 : i32 to index
        %get3A_514 = arith.constant 0 : index
        %get3A_515 = tpu.vector_load %get3A_512[%get3A_513, %get3A_514] {strides = array<i32>} : memref<200x64xf32, #tpu.memory_space<vmem>>, vector<1x16xf32>,
        %get3A_516 = vector.shape_cast %get3A_515 : vector<1x16xf32> to vector<16xf32>
        %add3A_517 = arith.addf %add3A_437, %get3A_516 : vector<16xf32>
        %get3A_518 = arith.constant 0 : i32
        %get3A_519 = arith.constant 0 : i32
        %get3A_520 = tpu.memref_slice %arg6[%scan3A_186, %get3A_518, %get3A_519] : memref<2x200x64xf32, #tpu.memory_space<vmem>> -> memref<1x200x64xf32, #tpu.memory_space<vmem>>
        %get3A_521 = tpu.memref_squeeze %get3A_520 : memref<1x200x64xf32, #tpu.memory_space<vmem>> -> memref<200x64xf32, #tpu.memory_space<vmem>>
        %get3A_522 = arith.index_cast %add3A_508 : i32 to index
        %get3A_523 = arith.constant 16 : index
        %get3A_524 = tpu.vector_load %get3A_521[%get3A_522, %get3A_523] {strides = array<i32>} : memref<200x64xf32, #tpu.memory_space<vmem>>, vector<1x16xf32>,
        %get3A_525 = vector.shape_cast %get3A_524 : vector<1x16xf32> to vector<16xf32>
        %add3A_526 = arith.addf %add3A_446, %get3A_525 : vector<16xf32>
        %get3A_527 = arith.constant 0 : i32
        %get3A_528 = arith.constant 0 : i32
        %get3A_529 = tpu.memref_slice %arg6[%scan3A_186, %get3A_527, %get3A_528] : memref<2x200x64xf32, #tpu.memory_space<vmem>> -> memref<1x200x64xf32, #tpu.memory_space<vmem>>
        %get3A_530 = tpu.memref_squeeze %get3A_529 : memref<1x200x64xf32, #tpu.memory_space<vmem>> -> memref<200x64xf32, #tpu.memory_space<vmem>>
        %get3A_531 = arith.index_cast %add3A_508 : i32 to index
        %get3A_532 = arith.constant 32 : index
        %get3A_533 = tpu.vector_load %get3A_530[%get3A_531, %get3A_532] {strides = array<i32>} : memref<200x64xf32, #tpu.memory_space<vmem>>, vector<1x16xf32>,
        %get3A_534 = vector.shape_cast %get3A_533 : vector<1x16xf32> to vector<16xf32>
        %add3A_535 = arith.addf %add3A_455, %get3A_534 : vector<16xf32>
        %get3A_536 = arith.constant 0 : i32
        %get3A_537 = arith.constant 0 : i32
        %get3A_538 = tpu.memref_slice %arg6[%scan3A_186, %get3A_536, %get3A_537] : memref<2x200x64xf32, #tpu.memory_space<vmem>> -> memref<1x200x64xf32, #tpu.memory_space<vmem>>
        %get3A_539 = tpu.memref_squeeze %get3A_538 : memref<1x200x64xf32, #tpu.memory_space<vmem>> -> memref<200x64xf32, #tpu.memory_space<vmem>>
        %get3A_540 = arith.index_cast %add3A_508 : i32 to index
        %get3A_541 = arith.constant 48 : index
        %get3A_542 = tpu.vector_load %get3A_539[%get3A_540, %get3A_541] {strides = array<i32>} : memref<200x64xf32, #tpu.memory_space<vmem>>, vector<1x16xf32>,
        %get3A_543 = vector.shape_cast %get3A_542 : vector<1x16xf32> to vector<16xf32>
        %add3A_544 = arith.addf %add3A_464, %get3A_543 : vector<16xf32>
        scf.yield %add3A_477, %add3A_517, %add3A_486, %add3A_526, %add3A_495, %add3A_535, %add3A_504, %add3A_544 : vector<16xf32>, vector<16xf32>, vector<16xf32>, vector<16xf32>, vector<16xf32>, vector<16xf32>, vector<16xf32>, vector<16xf32>
      }
      %scan3A_192 = arith.constant 25 : i32
      %add3A_193 = arith.addf %scan3A_191#0, %scan3A_191#1 : vector<16xf32>
      %swap3A_194 = arith.index_cast %add3A_148 : i32 to index
      %swap3A_195 = arith.constant 0 : index
      %swap3A_196 = tpu.vector_load %arg7[%swap3A_194, %swap3A_195] {strides = array<i32>} : memref<128x64xf32, #tpu.memory_space<vmem>>, vector<1x16xf32>,
      %swap3A_197 = vector.shape_cast %swap3A_196 : vector<1x16xf32> to vector<16xf32>
      %swap3A_198 = vector.shape_cast %add3A_193 : vector<16xf32> to vector<1x16xf32>
      tpu.vector_store %arg7[%swap3A_194, %swap3A_195], %swap3A_198 {strides = array<i32>} : memref<128x64xf32, #tpu.memory_space<vmem>>, vector<1x16xf32>,
      %add3A_199 = arith.addf %scan3A_191#2, %scan3A_191#3 : vector<16xf32>
      %swap3A_200 = arith.index_cast %add3A_148 : i32 to index
      %swap3A_201 = arith.constant 16 : index
      %swap3A_202 = tpu.vector_load %arg7[%swap3A_200, %swap3A_201] {strides = array<i32>} : memref<128x64xf32, #tpu.memory_space<vmem>>, vector<1x16xf32>,
      %swap3A_203 = vector.shape_cast %swap3A_202 : vector<1x16xf32> to vector<16xf32>
      %swap3A_204 = vector.shape_cast %add3A_199 : vector<16xf32> to vector<1x16xf32>
      tpu.vector_store %arg7[%swap3A_200, %swap3A_201], %swap3A_204 {strides = array<i32>} : memref<128x64xf32, #tpu.memory_space<vmem>>, vector<1x16xf32>,
      %add3A_205 = arith.addf %scan3A_191#4, %scan3A_191#5 : vector<16xf32>
      %swap3A_206 = arith.index_cast %add3A_148 : i32 to index
      %swap3A_207 = arith.constant 32 : index
      %swap3A_208 = tpu.vector_load %arg7[%swap3A_206, %swap3A_207] {strides = array<i32>} : memref<128x64xf32, #tpu.memory_space<vmem>>, vector<1x16xf32>,
      %swap3A_209 = vector.shape_cast %swap3A_208 : vector<1x16xf32> to vector<16xf32>
      %swap3A_210 = vector.shape_cast %add3A_205 : vector<16xf32> to vector<1x16xf32>
      tpu.vector_store %arg7[%swap3A_206, %swap3A_207], %swap3A_210 {strides = array<i32>} : memref<128x64xf32, #tpu.memory_space<vmem>>, vector<1x16xf32>,
      %add3A_211 = arith.addf %scan3A_191#6, %scan3A_191#7 : vector<16xf32>
      %swap3A_212 = arith.index_cast %add3A_148 : i32 to index
      %swap3A_213 = arith.constant 48 : index
      %swap3A_214 = tpu.vector_load %arg7[%swap3A_212, %swap3A_213] {strides = array<i32>} : memref<128x64xf32, #tpu.memory_space<vmem>>, vector<1x16xf32>,
      %swap3A_215 = vector.shape_cast %swap3A_214 : vector<1x16xf32> to vector<16xf32>
      %swap3A_216 = vector.shape_cast %add3A_211 : vector<16xf32> to vector<1x16xf32>
      tpu.vector_store %arg7[%swap3A_212, %swap3A_213], %swap3A_216 {strides = array<i32>} : memref<128x64xf32, #tpu.memory_space<vmem>>, vector<1x16xf32>,
    }
    %scan3A_72 = arith.constant 64 : i32
    "tpu.region"() ({
      %run_scoped3A = tpu.sem_alloc : memref<!tpu.dma_semaphore, #tpu.memory_space<semaphore_mem>>
      %dma_start3A_73 = arith.constant 0 : i32
      %dma_start3A_74 = tpu.memref_slice %arg4[%mul3A_2, %dma_start3A_73] : memref<4096x64xf32, #tpu.memory_space<hbm>> -> memref<128x64xf32, #tpu.memory_space<hbm>>
      %dma_start3A_75 = arith.constant 0 : i32
      %dma_start3A_76 = tpu.memref_slice %arg4[%mul3A_2, %dma_start3A_75] : memref<4096x64xf32, #tpu.memory_space<hbm>> -> memref<128x64xf32, #tpu.memory_space<hbm>>
      tpu.enqueue_dma source(%arg7 : memref<128x64xf32, #tpu.memory_space<vmem>>) target(%dma_start3A_76 : memref<128x64xf32, #tpu.memory_space<hbm>>) target_semaphore(%run_scoped3A : memref<!tpu.dma_semaphore, #tpu.memory_space<semaphore_mem>>)
      %dma_wait3A_77 = arith.constant 0 : i32
      %dma_wait3A_78 = tpu.memref_slice %arg4[%mul3A_2, %dma_wait3A_77] : memref<4096x64xf32, #tpu.memory_space<hbm>> -> memref<128x64xf32, #tpu.memory_space<hbm>>
      %dma_wait3A_79 = arith.constant 0 : i32
      %dma_wait3A_80 = tpu.memref_slice %arg4[%mul3A_2, %dma_wait3A_79] : memref<4096x64xf32, #tpu.memory_space<hbm>> -> memref<128x64xf32, #tpu.memory_space<hbm>>
      tpu.wait_dma2 semaphore(%run_scoped3A : memref<!tpu.dma_semaphore, #tpu.memory_space<semaphore_mem>>) src(%arg7 : memref<128x64xf32, #tpu.memory_space<vmem>>) dst(%dma_wait3A_80 : memref<128x64xf32, #tpu.memory_space<hbm>>)
      tpu.yield
    }) : () -> ()
    return
  }
}

module attributes {stable_mosaic.version = 14 : i64} {
  func.func @mlp_body(%arg0: memref<4096x64xf32, #tpu.memory_space<vmem>>, %arg1: memref<64x128xf32, #tpu.memory_space<vmem>>, %arg2: memref<1x128xf32, #tpu.memory_space<vmem>>, %arg3: memref<128x2xf32, #tpu.memory_space<vmem>>, %arg4: memref<1x2xf32, #tpu.memory_space<vmem>>, %arg5: memref<4096x2xf32, #tpu.memory_space<vmem>>) attributes {dimension_semantics = [], scalar_prefetch = 0 : i64, scratch_operands = 0 : i64, tpu.core_type = #tpu.core_type<tc>} {
    %get3A = arith.constant 0 : index
    %get3A_0 = arith.constant 0 : index
    %get3A_1 = vector.load %arg0[%get3A, %get3A_0] : memref<4096x64xf32, #tpu.memory_space<vmem>>, vector<4096x64xf32>
    %mul3A = arith.constant 5.000000e-03 : f32
    %mul3A_2 = vector.broadcast %mul3A : f32 to vector<4096x64xf32>
    %mul3A_3 = arith.mulf %get3A_1, %mul3A_2 : vector<4096x64xf32>
    %get3A_4 = arith.constant 0 : index
    %get3A_5 = arith.constant 0 : index
    %get3A_6 = vector.load %arg1[%get3A_4, %get3A_5] : memref<64x128xf32, #tpu.memory_space<vmem>>, vector<64x128xf32>
    %dot_general3A = arith.constant dense<0.000000e+00> : vector<4096x128xf32>
    %dot_general3A_7 = tpu.matmul %mul3A_3, %get3A_6, %dot_general3A {dimension_numbers = #tpu.dot_dimension_numbers<[1], [0], [0], [1], [0, 0, 1, 1], [], []>, transpose_lhs_hint = false} : vector<4096x64xf32>, vector<64x128xf32>, vector<4096x128xf32> -> vector<4096x128xf32>
    %get3A_8 = arith.constant 0 : index
    %get3A_9 = arith.constant 0 : index
    %get3A_10 = vector.load %arg2[%get3A_8, %get3A_9] : memref<1x128xf32, #tpu.memory_space<vmem>>, vector<1x128xf32>
    %add3A = vector.broadcast %get3A_10 : vector<1x128xf32> to vector<4096x128xf32>
    %add3A_11 = arith.addf %dot_general3A_7, %add3A : vector<4096x128xf32>
    %max3A = arith.constant 0.000000e+00 : f32
    %max3A_12 = vector.broadcast %max3A : f32 to vector<4096x128xf32>
    %max3A_13 = arith.maximumf %add3A_11, %max3A_12 : vector<4096x128xf32>
    %get3A_14 = arith.constant 0 : index
    %get3A_15 = arith.constant 0 : index
    %get3A_16 = vector.load %arg3[%get3A_14, %get3A_15] : memref<128x2xf32, #tpu.memory_space<vmem>>, vector<128x2xf32>
    %dot_general3A_17 = arith.constant dense<0.000000e+00> : vector<4096x2xf32>
    %dot_general3A_18 = tpu.matmul %max3A_13, %get3A_16, %dot_general3A_17 {dimension_numbers = #tpu.dot_dimension_numbers<[1], [0], [0], [1], [0, 0, 1, 1], [], []>, transpose_lhs_hint = false} : vector<4096x128xf32>, vector<128x2xf32>, vector<4096x2xf32> -> vector<4096x2xf32>
    %get3A_19 = arith.constant 0 : index
    %get3A_20 = arith.constant 0 : index
    %get3A_21 = vector.load %arg4[%get3A_19, %get3A_20] : memref<1x2xf32, #tpu.memory_space<vmem>>, vector<1x2xf32>
    %add3A_22 = vector.broadcast %get3A_21 : vector<1x2xf32> to vector<4096x2xf32>
    %add3A_23 = arith.addf %dot_general3A_18, %add3A_22 : vector<4096x2xf32>
    %swap3A = arith.constant 0 : index
    %swap3A_24 = arith.constant 0 : index
    %swap3A_25 = vector.load %arg5[%swap3A, %swap3A_24] : memref<4096x2xf32, #tpu.memory_space<vmem>>, vector<4096x2xf32>
    tpu.vector_store %arg5[%swap3A, %swap3A_24], %add3A_23 {strides = array<i32>} : memref<4096x2xf32, #tpu.memory_space<vmem>>, vector<4096x2xf32>,
    return
  }
}

</mosaic_0001>

<sc_bundles>
// kernel: kernel.4.cloned.1.call-start
scs
__scs_entry_jumppad:
0x0: {  	(pc) =	sbr.rel $0x88, $3  }
0x1: {  	(tag) =	ssettag $0x0;
	lr =	simm.s32 $0x1  }
0x2: {  	[smem:$0x3F9B] =	sst lr;
	_ =	strace $0xD0000000  }
0x3: {  	_ = 	snop  }
0x4: {  	_ = 	snop  }
0x5: {  	_ = 	snop  }
0x6: {  	_ = 	snop  }
0x7: {  	_ = 	snop  }
__scs_overlays_trampoline_lowered:
0x8: {  	[smem:$0x3FAA] =	sst s0  }
0x9: {  	[smem:$0x3FAB] =	sst s1  }
0xa: {  	[smem:$0x3FAC] =	sst s2  }
0xb: {  	[smem:$0x3FAD] =	sst s3  }
0xc: {  	[smem:$0x3FAE] =	sst s4  }
0xd: {  	[smem:$0x3FAF] =	sst s5  }
0xe: {  	[smem:$0x3FB0] =	sst s6  }
0xf: {  	[smem:$0x3FB1] =	sst s7  }
0x10: {  	[smem:$0x3FB2] =	sst s8  }
0x11: {  	[smem:$0x3FB3] =	sst s9;
	s0 =	simm.s32 @!p0 $0x0  }
0x12: {  	s1 =	sld [smem:$0x3F99];
	s0 =	simm.s32 @p0 $0x1  }
0x13: {  	[smem:$0x3FB4] =	sst s0;
	s0 =	simm.s32 @!p1 $0x0  }
0x14: {  	s2 =	sld [smem:$0x3F98];
	s0 =	simm.s32 @p1 $0x1  }
0x15: {  	[smem:$0x3FB5] =	sst s0;
	s0 =	simm.s32 @!p2 $0x0  }
0x16: {  	s3 =	sld [smem:$0x3FDB];
	s0 =	simm.s32 @p2 $0x1  }
0x17: {  	s4 =	simm.s32 $0x1BF5;
	[smem:$0x3FB7] =	sst s0  }
0x18: {  	s0 =	sld [smem:$0x3F9A];
	_ =	swait.ge [sflag:s4], $0x0  }
0x19: {  	s7 =	sld [smem:$0x3F9B]  }
0x1a: {  	s8 =	sadd.s32 $0xFFFFE003, lr  }
0x1b: {  	s9 =	sadd.s32 $0xFFFFFEF7, lr;
	s5 =	simm.s32 $0xFFFFFFFF;
	p2 =	slt.u32 s8, $0xFFFFF086  }
0x1c: {  	p1 =	slt.u32 s9, $0xF7A;
	s5 =	simm.s32 @!p2 $0x0  }
0x1d: {  	s5 =	simm.s32 @p1 $0x1;
	p0 =	seq.s32 s7, s2  }
0x1e: {  	s7 =	smul.u32 @!p0 $0xF7A, s2;
	p2 =	seq.s32 @!p0 s5, $0x0  }
0x1f: {  	s9 =	smul.u32 $0xF7A, s1;
	s8 =	simm.s32 @!p0 $0x1BF5;
	p2 =	por !p2, p0  }
0x20: {  	[sflag:s8] =	ssyncset.s32 @!p0 $0xFFFFF086;
	s6 =	sadd.s32 @!p0 s3, s7;
	s7 =	simm.s32 @!p0 $0x108  }
0x21: {  	s3 =	sadd.s32 s3, s9;
	s6 =	sadd.s32 @!p0 $0x88, s6;
	s7 =	simm.s32 @p2 $0x1082  }
0x22: {  	[simem:s7], [sflag:s8] =	dma.local @!p0 [hbm:s6], $0xF7A  }
0x23: {  	s9 =	sor.u32 $0xD0000000, s2;
	s6 =	simm.s32 $0x108;
	_ =	swait.ge @!p0 [sflag:s8], $0x0  }
0x24: {  	s3 =	sadd.s32 $0x88, s3;
	s6 =	simm.s32 @!p1 $0x1082;
	[sflag:s4] =	ssyncset.s32 $0xFFFFF086  }
0x25: {  	[simem:s6], [sflag:s4] =	dma.local [hbm:s3], $0xF7A  }
0x26: {  	[smem:$0x3F9B] =	sst s1;
	(tag) =	ssettag s2;
	_ =	strace s9  }
0x27: {  	s1 =	sld [smem:$0x3FAB]  }
0x28: {  	s2 =	sld [smem:$0x3FAC]  }
0x29: {  	s4 =	sld [smem:$0x3FAE]  }
0x2a: {  	p0 =	seq.s32 s5, $0x0;
	s5 =	sld [smem:$0x3FAF]  }
0x2b: {  	s6 =	sld [smem:$0x3FB0]  }
0x2c: {  	s7 =	sld [smem:$0x3FB1]  }
0x2d: {  	s3 =	simm.s32 $0x108;
	s8 =	sld [smem:$0x3FB2]  }
0x2e: {  	s3 =	simm.s32 @!p0 $0x1082;
	s9 =	sld [smem:$0x3FB3]  }
0x2f: {  	lr =	sadd.s32 s0, s3;
	s0 =	sld [smem:$0x3FAA]  }
0x30: {  	s3 =	sld [smem:$0x3FAD]  }
0x31: {  	[smem:$0x3FB6] =	sst s10  }
0x32: {  	s10 =	sld [smem:$0x3FB4];
	_ =	sdelay $0x3  }
0x33: {  	p0 =	seq.s32 s10, $0x1;
	s10 =	sld [smem:$0x3FB6];
	_ =	sdelay $0x3  }
0x34: {  	[smem:$0x3FB6] =	sst s10  }
0x35: {  	s10 =	sld [smem:$0x3FB5];
	_ =	sdelay $0x3  }
0x36: {  	p1 =	seq.s32 s10, $0x1;
	s10 =	sld [smem:$0x3FB6];
	_ =	sdelay $0x3  }
0x37: {  	[smem:$0x3FB6] =	sst s10  }
0x38: {  	s10 =	sld [smem:$0x3FB7]  }
0x39: {  	_ = 	snop;
	(pc) =	sbr.ind lr, $3  }
0x3a: {  	_ = 	snop  }
0x3b: {  	_ = 	snop  }
0x3c: {  	p2 =	seq.s32 s10, $0x1;
	s10 =	sld [smem:$0x3FB6]  }
0x3d: {  	_ =	shalt  }
0x3e: {  	_ =	shalt  }
0x3f: {  	_ =	shalt  }
0x40: {  	_ =	shalt  }
0x41: {  	_ =	shalt  }
0x42: {  	_ =	shalt  }
0x43: {  	_ =	shalt  }
0x44: {  	_ =	shalt  }
0x45: {  	_ =	shalt  }
0x46: {  	_ =	shalt  }
0x47: {  	_ =	shalt  }
0x48: {  	_ =	shalt  }
0x49: {  	_ =	shalt  }
0x4a: {  	_ =	shalt  }
0x4b: {  	_ =	shalt  }
0x4c: {  	_ =	shalt  }
0x4d: {  	_ =	shalt  }
0x4e: {  	_ =	shalt  }
0x4f: {  	_ =	shalt  }
0x50: {  	_ =	shalt  }
0x51: {  	_ =	shalt  }
0x52: {  	_ =	shalt  }
0x53: {  	_ =	shalt  }
0x54: {  	_ =	shalt  }
0x55: {  	_ =	shalt  }
0x56: {  	_ =	shalt  }
0x57: {  	_ =	shalt  }
0x58: {  	_ =	shalt  }
0x59: {  	_ =	shalt  }
0x5a: {  	_ =	shalt  }
0x5b: {  	_ =	shalt  }
0x5c: {  	_ =	shalt  }
0x5d: {  	_ =	shalt  }
0x5e: {  	_ =	shalt  }
0x5f: {  	_ =	shalt  }
0x60: {  	_ =	shalt  }
0x61: {  	_ =	shalt  }
0x62: {  	_ =	shalt  }
0x63: {  	_ =	shalt  }
0x64: {  	_ =	shalt  }
0x65: {  	_ =	shalt  }
0x66: {  	_ =	shalt  }
0x67: {  	_ =	shalt  }
0x68: {  	_ =	shalt  }
0x69: {  	_ =	shalt  }
0x6a: {  	_ =	shalt  }
0x6b: {  	_ =	shalt  }
0x6c: {  	_ =	shalt  }
0x6d: {  	_ =	shalt  }
0x6e: {  	_ =	shalt  }
0x6f: {  	_ =	shalt  }
0x70: {  	_ =	shalt  }
0x71: {  	_ =	shalt  }
0x72: {  	_ =	shalt  }
0x73: {  	_ =	shalt  }
0x74: {  	_ =	shalt  }
0x75: {  	_ =	shalt  }
0x76: {  	_ =	shalt  }
0x77: {  	_ =	shalt  }
0x78: {  	_ =	shalt  }
0x79: {  	_ =	shalt  }
0x7a: {  	_ =	shalt  }
0x7b: {  	_ =	shalt  }
0x7c: {  	_ =	shalt  }
0x7d: {  	_ =	shalt  }
0x7e: {  	_ =	shalt  }
0x7f: {  	_ =	shalt  }
0x80: {  	_ =	shalt  }
0x81: {  	_ =	shalt  }
0x82: {  	_ =	shalt  }
0x83: {  	_ =	shalt  }
0x84: {  	_ =	shalt  }
0x85: {  	_ =	shalt  }
0x86: {  	_ =	shalt  }
0x87: {  	_ =	shalt  }
.Lfunc_end0:
.L_simem_size_0:
called_computation_lowered:
.L_overlay_start_0:
0x88: {  	s2 =	sld [smem:$0x3FD9]  }
0x89: {  	s3 =	sld [smem:$0x3FFE];
	_ =	sdelay $0x1  }
0x8a: {  	s1 =	srdreg.scid  }
0x8b: {  	s0 =	sand.u32 $0x1, s1  }
0x8c: {  	s16 =	sshll.u32 s0, $0xA;
	s2 =	sadd.s32 s3, s2  }
0x8d: {  	s2 =	sadd.s32 s2, s16  }
0x8e: {  	[smem:$0x3FC2] =	sst s2  }
0x8f: {  	_ = 	snop  }
0x90: {  	(tm) =	ssettm $0x1  }
0x91: {  	s17 =	sld [smem:$0x3FFB];
	_ =	sdelay $0x3  }
0x92: {  	_ =	strace s17  }
0x93: {  	s2 =	sld [smem:$0x3FFC];
	_ =	sdelay $0x3  }
0x94: {  	_ =	strace s2  }
0x95: {  	s2 =	sld [smem:$0x3FFD];
	_ =	sdelay $0x3  }
0x96: {  	_ =	strace s2  }
0x97: {  	_ =	strace $0x8FFFFFFF  }
0x98: {  	s18 =	sld [smem:$0x3FDB];
	_ =	sdelay $0x1  }
0x99: {  	s19 =	simm.s32 $_scs_section_size  }
0x9a: {  	s4 =	simm.s32 $_size__tile_overlayer_lowered;
	s5 =	simm.s32 $_tile_overlayer_lowered  }
0x9b: {  	s22 =	simm.s32 $0x1BFF;
	s21 =	sshll.u32 s5, $0x1;
	s2 =	sadd.s32 s19, s18  }
0x9c: {  	s6 =	simm.s32 $0x0;
	s20 =	sshll.u32 s4, $0x1;
	s4 =	sadd.s32 s21, s2  }
0x9d: {  	[timem:s6], [sflag:s22] =	dma.local [hbm:s4], s20  }
0x9e: {  	_ =	swait.ge [sflag:s22], s20  }
0x9f: {  	s3 =	ssub.s32 $0x0, s20;
	[sflag:s22] =	ssyncset.done $0x0  }
0xa0: {  	[sflag:s22] =	ssyncadd.s32 s3;
	_ =	sdelay $0x1  }
0xa1: {  	s23 =	simm.s32 $0x1B8B  }
0xa2: {  	_ =	swait.ge [sflag:s23], $0x1  }
0xa3: {  	[sflag:s23] =	ssyncset.done $0x0  }
0xa4: {  	s25 =	simm.s32 $0x1B8E;
	s24 =	sld [smem:$0x3FFE];
	[sflag:s23] =	ssyncadd.s32 $0xFFFFFFFF  }
0xa5: {  	s26 =	simm.s32 $execute0_lowered;
	[smem:$0x3FD2] =	sst s25  }
0xa6: {  	s4 =	sshll.u32 s26, $0x1;
	_ =	strace $0x80000046;
	[dreg:$0x1] =	wrdreg $0xFFFFFFFF  }
0xa7: {  	s28 =	simm.s32 $_size_execute0_lowered;
	s2 =	sadd.s32 s2, s4;
	[dreg:$0x0] =	wrdreg $0x0  }
0xa8: {  	s4 =	sshll.u32 s28, $0x1;
	[dreg:$0x2] =	wrdreg s2  }
0xa9: {  	[dreg:$0x3] =	wrdreg s4  }
0xaa: {  	[dreg:$0x4] =	wrdreg $0xC0  }
0xab: {  	_ =	task [dreg:s6], $0x5FFFF  }
0xac: {  	[dreg:$0x1] =	wrdreg $0xFFFFFFFF  }
0xad: {  	[dreg:$0x0] =	wrdreg $0x60  }
0xae: {  	[dreg:$0x2] =	wrdreg s24  }
0xaf: {  	[dreg:$0x3] =	wrdreg $0x9  }
0xb0: {  	_ =	task.clear_ibuf [dreg:s6], $0x4FFFF;
	_ =	strace $0x90000046  }
0xb1: {  	s29 =	simm.s32 $0x9;
	_ =	strace $0x80000048  }
0xb2: {  	_ =	swait.ge [sflag:s29], $0x1  }
0xb3: {  	[sflag:s29] =	ssyncadd.s32 $0xFFFFFFFF  }
0xb4: {  	_ =	strace $0x90000048  }
0xb5: {  	_ =	sfence  }
0xb6: {  	s30 =	sld [smem:$0x0];
	_ =	sdelay $0x2  }
0xb7: {  	s31 =	sshll.u32 s1, $0xD;
	s1 =	sshrl.u32 s1, $0x2  }
0xb8: {  	s3 =	sand.u32 $0x4000, s31;
	s1 =	sadd.s32 s1, s30  }
0xb9: {  	s0 =	sor.u32 s3, s0;
	s1 =	sshll.u32 s1, $0x11  }
0xba: {  	s0 =	sor.u32 s1, s0  }
0xbb: {  	s0 =	sadd.s32 $0x8F2B, s0  }
0xbc: {  	[sflag:s0] =	ssyncadd.remote.s32 $0x1  }
0xbd: {  	_ =	sfence.sel $0xFFFF  }
0xbe: {  	[dreg:$0x0] =	wrdreg $0xFFFFFFFF;
	(pc) =	sbr.abs _section_cstart, $3  }
0xbf: {  	[dreg:$0x1] =	wrdreg $0xFFFFFFFF  }
0xc0: {  	_ =	task.clear_ibuf [dreg:s6], $0x2FFFF;
	_ =	strace $0x9FFFFFFF  }
0xc1: {  	(tm) =	ssettm $0x7FFFFFFF  }
tec
execute0_lowered:
.L_overlay_start_1:
0x0: {  	(tag) =	ssettag $0x1  }
0x1: {  	s4 =	rddreg [dreg:$0x0]  }
0x2: {  	s2 =	srdreg.scid;
	s0 =	rddreg [dreg:$0x1]  }
0x3: {  	s1 =	stileid.u32;
	s8 =	simm.s32 $0x80;
	s9 =	simm.s32 $0x8000  }
0x4: {  	s10 =	simm.s32 $0x48;
	s11 =	simm.s32 $0xA000;
	s12 =	simm.s32 $0x100  }
0x5: {  	s13 =	simm.s32 $0xB200;
	s14 =	simm.s32 $0x180;
	s15 =	simm.s32 $0xD200  }
0x6: {  	s16 =	simm.s32 $0x2;
	s17 =	simm.s32 $0x3;
	s18 =	simm.s32 $0xE400  }
0x7: {  	s19 =	simm.s32 $0x4;
	s20 =	simm.s32 $0x0;
	s3 =	sand.u32 $0x1, s2  }
0x8: {  	s2 =	simm.s32 $0x0;
	s5 =	sshll.u32 s1, $0x8;
	s6 =	sshll.u32 s3, $0x7  }
0x9: {  	[smem:$0x7FF] =	sst s2;
	s7 =	ssub.s32 $0x2, s3;
	s5 =	sor.u32 s6, s5  }
0xa: {  	s3 =	sadd.s32 $0xF43200, s4;
	_ =	strace $0x80000047;
	s6 =	sshll.u32 s5, $0x5  }
0xb: {  	s31 =	sshrl.u32 s7, $0x1;
	s5 =	sshll.u32 s5, $0x3;
	s6 =	sadd.s32 s6, s4  }
0xc: {  	s7 =	ssub.s32 s7, s31;
	s5 =	sadd.s32 s5, s4;
	s4 =	sadd.s32 $0xE00, s6  }
0xd: {  	s5 =	sadd.s32 $0x20E00, s5;
	s6 =	smax.u32 s7, $0x1;
	s7 =	simm.s32 $0x1  }
.LBB2_1:
0xe: {  	[tilespmem:s2], [sflag:$0x1] =	stream.linear.gather [hbm4b:s4+s2], $0x8000, $0x38;
	[tilespmem:$0x10400] =	vst v63  }
0xf: {  	_ =	swait.ge [sflag:s7], $0x8000  }
0x10: {  	[sflag:s7] =	ssyncset.done $0x0  }
0x11: {  	[sflag:s7] =	ssyncadd.s32 $0xFFFF8000  }
0x12: {  	[tilespmem:s9], [sflag:$0x2] =	stream.indirect.gather [hbm4b:s3+s8], $0x40, s2, s8, $0xb8;
	[tilespmem:$0x10400] =	vst v63  }
0x13: {  	_ = 	snop  }
0x14: {  	[tilespmem:s11], [sflag:$0x2] =	stream.indirect.gather [hbm4b:s3+s10], $0x40, s8, s10, $0xb8;
	[tilespmem:$0x10400] =	vst v63  }
0x15: {  	_ = 	snop  }
0x16: {  	[tilespmem:s13], [sflag:$0x3] =	stream.indirect.gather [hbm4b:s3+s8], $0x40, s12, s8, $0xb8;
	[tilespmem:$0x10400] =	vst v63  }
0x17: {  	s21 =	simm.s32 $0x0  }
0x18: {  	[tilespmem:s15], [sflag:$0x3] =	stream.indirect.gather [hbm4b:s3+s10], $0x40, s14, s10, $0xb8;
	[tilespmem:$0x10400] =	vst v63  }
.LBB2_2:
0x19: {  	_ =	swait.ge [sflag:s16], $0x2000  }
0x1a: {  	[sflag:s16] =	ssyncset.done $0x0  }
0x1b: {  	[sflag:s16] =	ssyncadd.s32 $0xFFFFE000  }
0x1c: {  	s23 =	sshll.u32 s21, $0x9;
	p0 =	seq.s32 s21, $0x3F;
	_ =	swait.ge [sflag:s16], $0x1200  }
0x1d: {  	s22 =	sadd.s32 @!p0 $0x200, s23;
	[sflag:s16] =	ssyncset.done $0x0  }
0x1e: {  	s24 =	simm.s32 @!p0 $0x80;
	s25 =	simm.s32 @!p0 $0x8000;
	[sflag:s16] =	ssyncadd.s32 $0xFFFFEE00  }
0x1f: {  	[tilespmem:s25], [sflag:$0x2] =	stream.indirect.gather @!p0 [hbm4b:s3+s24], $0x40, s22, s24, $0xb8;
	[tilespmem:$0x10400] =	vst v63  }
0x20: {  	s22 =	sadd.s32 @!p0 $0x280, s23;
	s24 =	simm.s32 @!p0 $0x48;
	s25 =	simm.s32 @!p0 $0xA000  }
0x21: {  	[tilespmem:s25], [sflag:$0x2] =	stream.indirect.gather @!p0 [hbm4b:s3+s24], $0x40, s22, s24, $0xb8;
	[tilespmem:$0x10400] =	vst v63  }
0x22: {  	s22 =	simm.s32 $0x0  }
0x23: {  	v3 =	vld [tilespmem:s22+$0x8180]  }
0x24: {  	v4 =	vld [tilespmem:s22+$0x8190]  }
0x25: {  	v5 =	vld [tilespmem:s22+$0x81A0]  }
0x26: {  	v6 =	vld [tilespmem:s22+$0x81B0]  }
0x27: {  	v0 =	vld [tilespmem:s22+$0x81C0]  }
0x28: {  	v1 =	vld [tilespmem:s22+$0x81D0]  }
0x29: {  	v13 =	vld [tilespmem:s22+$0x8100]  }
0x2a: {  	v15 =	vld [tilespmem:s22+$0x8110]  }
0x2b: {  	v12 =	vld [tilespmem:s22+$0x8120]  }
0x2c: {  	v14 =	vld [tilespmem:s22+$0x8130]  }
0x2d: {  	v2 =	vld [tilespmem:s22+$0x8140]  }
0x2e: {  	v9 =	vld [tilespmem:s22+$0x8080]  }
0x2f: {  	v10 =	vld [tilespmem:s22+$0x8090]  }
0x30: {  	v11 =	vld [tilespmem:s22+$0x8000]  }
0x31: {  	v17 =	vld [tilespmem:s22+$0x8010]  }
0x32: {  	v18 =	vld [tilespmem:s22+$0x8020]  }
0x33: {  	v19 =	vld [tilespmem:s22+$0x8030]  }
0x34: {  	v20 =	vld [tilespmem:s22+$0x80A0]  }
0x35: {  	v24 =	vld [tilespmem:s22+$0x80B0]  }
0x36: {  	v8 =	vimm.f32 $0.0e+00;
	v7 =	vld [tilespmem:s22+$0x8150]  }
0x37: {  	v16 =	vld [tilespmem:s22+$0x80C0];
	v11 =	vadd.f32 v11, v8;
	v22 =	vadd.f32 v17, v8  }
0x38: {  	v17 =	vld [tilespmem:s22+$0x80D0];
	v23 =	vadd.f32 v18, v8;
	v25 =	vadd.f32 v19, v8  }
0x39: {  	v18 =	vld [tilespmem:s22+$0x8040];
	v21 =	vadd.f32 v9, v11;
	v22 =	vadd.f32 v10, v22  }
0x3a: {  	v19 =	vld [tilespmem:s22+$0x8050];
	v23 =	vadd.f32 v20, v23;
	v24 =	vadd.f32 v24, v25  }
0x3b: {  	s24 =	simm.s32 $0x800;
	v20 =	vld [tilespmem:s22+$0x8060];
	v11 =	vimm.f32 $0.0e+00;
	v10 =	vimm.f32 $0.0e+00;
	v9 =	vimm.f32 $0.0e+00  }
.LBB2_3:
0x3c: {  	p1 =	sne.s32 s24, $0xC000;
	v25 =	vld [tilespmem:s22+$0x8070];
	v13 =	vadd.f32 v13, v21;
	v15 =	vadd.f32 v15, v22  }
0x3d: {  	v21 =	vld [tilespmem:s22+$0x80E0];
	v12 =	vadd.f32 v12, v23;
	v14 =	vadd.f32 v14, v24  }
0x3e: {  	v22 =	vld [tilespmem:s22+$0x80F0];
	v23 =	vadd.f32 v3, v13;
	v24 =	vadd.f32 v4, v15  }
0x3f: {  	v13 =	vld [tilespmem:s22+$0x8160];
	v26 =	vadd.f32 v5, v12;
	v27 =	vadd.f32 v6, v14  }
0x40: {  	v3 =	vadd.f32 v18, v8;
	v4 =	vadd.f32 v19, v11;
	v6 =	vld [tilespmem:s22+$0x8170]  }
0x41: {  	v5 =	vadd.f32 v20, v10;
	v8 =	vadd.f32 v25, v9;
	v9 =	vld [tilespmem:s22+$0x81E0]  }
0x42: {  	v10 =	vadd.f32 v16, v3;
	v11 =	vadd.f32 v17, v4;
	v12 =	vld [tilespmem:s22+$0x81F0];
	s22 =	sshra.s32 s24, $0x2  }
0x43: {  	v14 =	vadd.f32 v21, v5;
	v3 =	vld [tilespmem:s22+$0x8180];
	v8 =	vadd.f32 v22, v8  }
0x44: {  	v2 =	vadd.f32 v2, v10;
	v7 =	vadd.f32 v7, v11;
	v4 =	vld [tilespmem:s22+$0x8190]  }
0x45: {  	v10 =	vadd.f32 v13, v14;
	v5 =	vld [tilespmem:s22+$0x81A0];
	v13 =	vadd.f32 v6, v8  }
0x46: {  	v8 =	vadd.f32 v0, v2;
	v11 =	vadd.f32 v1, v7;
	v6 =	vld [tilespmem:s22+$0x81B0]  }
0x47: {  	v10 =	vadd.f32 v9, v10;
	v0 =	vld [tilespmem:s22+$0x81C0];
	v9 =	vadd.f32 v12, v13  }
0x48: {  	v1 =	vld [tilespmem:s22+$0x81D0]  }
0x49: {  	v13 =	vld [tilespmem:s22+$0x8100]  }
0x4a: {  	v15 =	vld [tilespmem:s22+$0x8110]  }
0x4b: {  	v12 =	vld [tilespmem:s22+$0x8120]  }
0x4c: {  	v14 =	vld [tilespmem:s22+$0x8130]  }
0x4d: {  	v2 =	vld [tilespmem:s22+$0x8140]  }
0x4e: {  	v7 =	vld [tilespmem:s22+$0x8150]  }
0x4f: {  	v20 =	vld [tilespmem:s22+$0x8080]  }
0x50: {  	v22 =	vld [tilespmem:s22+$0x8090]  }
0x51: {  	v17 =	vld [tilespmem:s22+$0x8000]  }
0x52: {  	v18 =	vld [tilespmem:s22+$0x8010]  }
0x53: {  	v19 =	vld [tilespmem:s22+$0x8020]  }
0x54: {  	v21 =	vld [tilespmem:s22+$0x8030]  }
0x55: {  	v25 =	vld [tilespmem:s22+$0x80A0]  }
0x56: {  	v28 =	vld [tilespmem:s22+$0x80B0]  }
.Ltmp0:
0x57: {  	v16 =	vld [tilespmem:s22+$0x80C0];
	(pc) =	sbr.rel @p1 .LBB2_3-.Ltmp0, $4  }
0x58: {  	v23 =	vadd.f32 v17, v23;
	v24 =	vadd.f32 v18, v24;
	v17 =	vld [tilespmem:s22+$0x80D0]  }
0x59: {  	v26 =	vadd.f32 v19, v26;
	v27 =	vadd.f32 v21, v27;
	v18 =	vld [tilespmem:s22+$0x8040]  }
0x5a: {  	v21 =	vadd.f32 v20, v23;
	v22 =	vadd.f32 v22, v24;
	v19 =	vld [tilespmem:s22+$0x8050]  }
0x5b: {  	s24 =	sadd.s32 $0x800, s24;
	v23 =	vadd.f32 v25, v26;
	v20 =	vld [tilespmem:s22+$0x8060];
	v24 =	vadd.f32 v28, v27  }
0x5c: {  	v13 =	vadd.f32 v13, v21;
	v15 =	vadd.f32 v15, v22  }
0x5d: {  	v21 =	vld [tilespmem:s22+$0x8070];
	v12 =	vadd.f32 v12, v23;
	v14 =	vadd.f32 v14, v24  }
0x5e: {  	v22 =	vld [tilespmem:s22+$0x80E0];
	v3 =	vadd.f32 v3, v13;
	v4 =	vadd.f32 v4, v15  }
0x5f: {  	v13 =	vld [tilespmem:s22+$0x80F0];
	v8 =	vadd.f32 v18, v8;
	v5 =	vadd.f32 v5, v12  }
0x60: {  	v12 =	vld [tilespmem:s22+$0x8160];
	v6 =	vadd.f32 v6, v14;
	v11 =	vadd.f32 v19, v11  }
0x61: {  	v14 =	vld [tilespmem:s22+$0x8170];
	v10 =	vadd.f32 v20, v10;
	v8 =	vadd.f32 v16, v8  }
0x62: {  	v15 =	vld [tilespmem:s22+$0x81E0];
	v9 =	vadd.f32 v21, v9;
	v11 =	vadd.f32 v17, v11  }
0x63: {  	v16 =	vld [tilespmem:s22+$0x81F0];
	v10 =	vadd.f32 v22, v10;
	v2 =	vadd.f32 v2, v8  }
0x64: {  	v8 =	vadd.f32 v13, v9;
	v7 =	vadd.f32 v7, v11  }
0x65: {  	v9 =	vadd.f32 v12, v10;
	v0 =	vadd.f32 v0, v2  }
0x66: {  	v2 =	vadd.f32 v14, v8;
	v1 =	vadd.f32 v1, v7  }
0x67: {  	v7 =	vadd.f32 v15, v9;
	v0 =	vadd.f32 v0, v3  }
0x68: {  	s22 =	sshrl.u32 s23, $0x2;
	v2 =	vadd.f32 v16, v2;
	v1 =	vadd.f32 v1, v4  }
0x69: {  	[tilespmem:s22+$0xE400] =	vst v0;
	v0 =	vadd.f32 v7, v5  }
0x6a: {  	[tilespmem:s22+$0xE410] =	vst v1;
	v1 =	vadd.f32 v2, v6  }
0x6b: {  	[tilespmem:s22+$0xE420] =	vst v0  }
0x6c: {  	[tilespmem:s22+$0xE430] =	vst v1  }
0x6d: {  	_ =	swait.ge [sflag:s17], $0x2000  }
0x6e: {  	[sflag:s17] =	ssyncset.done $0x0  }
0x6f: {  	[sflag:s17] =	ssyncadd.s32 $0xFFFFE000  }
0x70: {  	_ =	swait.ge [sflag:s17], $0x1200  }
0x71: {  	s24 =	sadd.s32 @!p0 $0x300, s23;
	[sflag:s17] =	ssyncset.done $0x0  }
0x72: {  	s25 =	simm.s32 @!p0 $0x80;
	s26 =	simm.s32 @!p0 $0xB200;
	[sflag:s17] =	ssyncadd.s32 $0xFFFFEE00  }
0x73: {  	[tilespmem:s26], [sflag:$0x3] =	stream.indirect.gather @!p0 [hbm4b:s3+s25], $0x40, s24, s25, $0xb8;
	[tilespmem:$0x10400] =	vst v63  }
0x74: {  	s23 =	sadd.s32 @!p0 $0x380, s23;
	s24 =	simm.s32 @!p0 $0x48;
	s25 =	simm.s32 @!p0 $0xD200  }
0x75: {  	[tilespmem:s25], [sflag:$0x3] =	stream.indirect.gather @!p0 [hbm4b:s3+s24], $0x40, s23, s24, $0xb8;
	[tilespmem:$0x10400] =	vst v63  }
0x76: {  	s23 =	simm.s32 $0x0  }
0x77: {  	v3 =	vld [tilespmem:s23+$0xB380]  }
0x78: {  	v4 =	vld [tilespmem:s23+$0xB390]  }
0x79: {  	v5 =	vld [tilespmem:s23+$0xB3A0]  }
0x7a: {  	v6 =	vld [tilespmem:s23+$0xB3B0]  }
0x7b: {  	v0 =	vld [tilespmem:s23+$0xB3C0]  }
0x7c: {  	v1 =	vld [tilespmem:s23+$0xB3D0]  }
0x7d: {  	v13 =	vld [tilespmem:s23+$0xB300]  }
0x7e: {  	v15 =	vld [tilespmem:s23+$0xB310]  }
0x7f: {  	v12 =	vld [tilespmem:s23+$0xB320]  }
0x80: {  	v14 =	vld [tilespmem:s23+$0xB330]  }
0x81: {  	v2 =	vld [tilespmem:s23+$0xB340]  }
0x82: {  	v9 =	vld [tilespmem:s23+$0xB280]  }
0x83: {  	v10 =	vld [tilespmem:s23+$0xB290]  }
0x84: {  	v11 =	vld [tilespmem:s23+$0xB200]  }
0x85: {  	v17 =	vld [tilespmem:s23+$0xB210]  }
0x86: {  	v18 =	vld [tilespmem:s23+$0xB220]  }
0x87: {  	v19 =	vld [tilespmem:s23+$0xB230]  }
0x88: {  	v20 =	vld [tilespmem:s23+$0xB2A0]  }
0x89: {  	v24 =	vld [tilespmem:s23+$0xB2B0]  }
0x8a: {  	v8 =	vimm.f32 $0.0e+00;
	v7 =	vld [tilespmem:s23+$0xB350]  }
0x8b: {  	v16 =	vld [tilespmem:s23+$0xB2C0];
	v11 =	vadd.f32 v11, v8;
	v22 =	vadd.f32 v17, v8  }
0x8c: {  	v17 =	vld [tilespmem:s23+$0xB2D0];
	v23 =	vadd.f32 v18, v8;
	v25 =	vadd.f32 v19, v8  }
0x8d: {  	v18 =	vld [tilespmem:s23+$0xB240];
	v21 =	vadd.f32 v9, v11;
	v22 =	vadd.f32 v10, v22  }
0x8e: {  	v19 =	vld [tilespmem:s23+$0xB250];
	v23 =	vadd.f32 v20, v23;
	v24 =	vadd.f32 v24, v25  }
0x8f: {  	s24 =	simm.s32 $0x800;
	v20 =	vld [tilespmem:s23+$0xB260];
	v11 =	vimm.f32 $0.0e+00;
	v10 =	vimm.f32 $0.0e+00;
	v9 =	vimm.f32 $0.0e+00  }
.LBB2_5:
0x90: {  	p0 =	sne.s32 s24, $0xC000;
	v25 =	vld [tilespmem:s23+$0xB270];
	v13 =	vadd.f32 v13, v21;
	v15 =	vadd.f32 v15, v22  }
0x91: {  	v21 =	vld [tilespmem:s23+$0xB2E0];
	v12 =	vadd.f32 v12, v23;
	v14 =	vadd.f32 v14, v24  }
0x92: {  	v22 =	vld [tilespmem:s23+$0xB2F0];
	v23 =	vadd.f32 v3, v13;
	v24 =	vadd.f32 v4, v15  }
0x93: {  	v13 =	vld [tilespmem:s23+$0xB360];
	v26 =	vadd.f32 v5, v12;
	v27 =	vadd.f32 v6, v14  }
0x94: {  	v3 =	vadd.f32 v18, v8;
	v4 =	vadd.f32 v19, v11;
	v6 =	vld [tilespmem:s23+$0xB370]  }
0x95: {  	v5 =	vadd.f32 v20, v10;
	v8 =	vadd.f32 v25, v9;
	v9 =	vld [tilespmem:s23+$0xB3E0]  }
0x96: {  	v10 =	vadd.f32 v16, v3;
	v11 =	vadd.f32 v17, v4;
	v12 =	vld [tilespmem:s23+$0xB3F0];
	s23 =	sshra.s32 s24, $0x2  }
0x97: {  	v14 =	vadd.f32 v21, v5;
	v3 =	vld [tilespmem:s23+$0xB380];
	v8 =	vadd.f32 v22, v8  }
0x98: {  	v2 =	vadd.f32 v2, v10;
	v7 =	vadd.f32 v7, v11;
	v4 =	vld [tilespmem:s23+$0xB390]  }
0x99: {  	v10 =	vadd.f32 v13, v14;
	v5 =	vld [tilespmem:s23+$0xB3A0];
	v13 =	vadd.f32 v6, v8  }
0x9a: {  	v8 =	vadd.f32 v0, v2;
	v11 =	vadd.f32 v1, v7;
	v6 =	vld [tilespmem:s23+$0xB3B0]  }
0x9b: {  	v10 =	vadd.f32 v9, v10;
	v0 =	vld [tilespmem:s23+$0xB3C0];
	v9 =	vadd.f32 v12, v13  }
0x9c: {  	v1 =	vld [tilespmem:s23+$0xB3D0]  }
0x9d: {  	v13 =	vld [tilespmem:s23+$0xB300]  }
0x9e: {  	v15 =	vld [tilespmem:s23+$0xB310]  }
0x9f: {  	v12 =	vld [tilespmem:s23+$0xB320]  }
0xa0: {  	v14 =	vld [tilespmem:s23+$0xB330]  }
0xa1: {  	v2 =	vld [tilespmem:s23+$0xB340]  }
0xa2: {  	v7 =	vld [tilespmem:s23+$0xB350]  }
0xa3: {  	v20 =	vld [tilespmem:s23+$0xB280]  }
0xa4: {  	v22 =	vld [tilespmem:s23+$0xB290]  }
0xa5: {  	v17 =	vld [tilespmem:s23+$0xB200]  }
0xa6: {  	v18 =	vld [tilespmem:s23+$0xB210]  }
0xa7: {  	v19 =	vld [tilespmem:s23+$0xB220]  }
0xa8: {  	v21 =	vld [tilespmem:s23+$0xB230]  }
0xa9: {  	v25 =	vld [tilespmem:s23+$0xB2A0]  }
0xaa: {  	v28 =	vld [tilespmem:s23+$0xB2B0]  }
.Ltmp1:
0xab: {  	v16 =	vld [tilespmem:s23+$0xB2C0];
	(pc) =	sbr.rel @p0 .LBB2_5-.Ltmp1, $4  }
0xac: {  	v23 =	vadd.f32 v17, v23;
	v24 =	vadd.f32 v18, v24;
	v17 =	vld [tilespmem:s23+$0xB2D0]  }
0xad: {  	v26 =	vadd.f32 v19, v26;
	v27 =	vadd.f32 v21, v27;
	v18 =	vld [tilespmem:s23+$0xB240]  }
0xae: {  	v21 =	vadd.f32 v20, v23;
	v22 =	vadd.f32 v22, v24;
	v19 =	vld [tilespmem:s23+$0xB250]  }
0xaf: {  	s24 =	sadd.s32 $0x800, s24;
	v23 =	vadd.f32 v25, v26;
	v20 =	vld [tilespmem:s23+$0xB260];
	v24 =	vadd.f32 v28, v27  }
0xb0: {  	v13 =	vadd.f32 v13, v21;
	v15 =	vadd.f32 v15, v22  }
0xb1: {  	v51 =	vld [tilespmem:s23+$0xB270];
	v12 =	vadd.f32 v12, v23;
	v14 =	vadd.f32 v14, v24  }
0xb2: {  	v52 =	vld [tilespmem:s23+$0xB2E0];
	v3 =	vadd.f32 v3, v13;
	v4 =	vadd.f32 v4, v15  }
0xb3: {  	v53 =	vld [tilespmem:s23+$0xB2F0];
	v8 =	vadd.f32 v18, v8;
	v5 =	vadd.f32 v5, v12  }
0xb4: {  	v54 =	vld [tilespmem:s23+$0xB360];
	v6 =	vadd.f32 v6, v14;
	v11 =	vadd.f32 v19, v11  }
0xb5: {  	v55 =	vld [tilespmem:s23+$0xB370];
	v10 =	vadd.f32 v20, v10;
	v8 =	vadd.f32 v16, v8  }
0xb6: {  	v56 =	vld [tilespmem:s23+$0xB3E0];
	v9 =	vadd.f32 v51, v9;
	v11 =	vadd.f32 v17, v11  }
0xb7: {  	v57 =	vld [tilespmem:s23+$0xB3F0];
	v10 =	vadd.f32 v52, v10;
	v2 =	vadd.f32 v2, v8  }
0xb8: {  	v58 =	vadd.f32 v53, v9;
	v7 =	vadd.f32 v7, v11  }
0xb9: {  	v59 =	vadd.f32 v54, v10;
	v0 =	vadd.f32 v0, v2  }
0xba: {  	s21 =	sadd.s32 $0x1, s21;
	v60 =	vadd.f32 v55, v58;
	v1 =	vadd.f32 v1, v7  }
0xbb: {  	p0 =	sne.s32 s21, $0x40;
	v61 =	vadd.f32 v56, v59;
	v0 =	vadd.f32 v0, v3  }
.Ltmp2:
0xbc: {  	v2 =	vadd.f32 v57, v60;
	v1 =	vadd.f32 v1, v4;
	(pc) =	sbr.rel @p0 .LBB2_2-.Ltmp2, $4  }
0xbd: {  	[tilespmem:s22+$0xE440] =	vst v0;
	v62 =	vadd.f32 v61, v5  }
0xbe: {  	[tilespmem:s22+$0xE450] =	vst v1;
	v63 =	vadd.f32 v2, v6  }
0xbf: {  	[tilespmem:s22+$0xE460] =	vst v62  }
0xc0: {  	[tilespmem:s22+$0xE470] =	vst v63  }
0xc1: {  	s20 =	sadd.s32 $0x1, s20  }
0xc2: {  	p0 =	sne.s32 s20, s6  }
.Ltmp3:
0xc3: {  	_ = 	snop;
	(pc) =	sbr.rel @p0 .LBB2_1-.Ltmp3, $4  }
0xc4: {  	[hbm4b:s5+s2] =	stream.linear.scatter [tilespmem:s18], [sflag:$0x4], $0x2000, $0x38;
	[tilespmem:$0x10400] =	vst v63  }
0xc5: {  	_ =	swait.ge [sflag:s19], $0x2000  }
0xc6: {  	[sflag:s19] =	ssyncset.done $0x0  }
0xc7: {  	[sflag:s19] =	ssyncadd.s32 $0xFFFFE000  }
0xc8: {  	_ =	sfence.sel $0x180000  }
0xc9: {  	[bflag:$0x0] =	sbarrier.arrive $0xFFFF  }
0xca: {  	p0 =	sne.s32 s1, $0x0;
	_ =	strace $0x90000047  }
0xcb: {  	s0 =	sadd.s32 @!p0 $0x100000, s0;
	[bflag:$0x2] =	sbarrier.arrive $0xFFFF  }
0xcc: {  	[sflag:s0] =	ssyncadd.tile.s32 @!p0 $0x1;
	_ =	shalt  }
.Lfunc_end2:
_tile_overlayer_lowered:
.L_overlay_start_2:
0xcd: {  	(tag) =	ssettag $0x2  }
0xce: {  	s0 =	rddreg [dreg:$0x0];
	s2 =	stileid.u32  }
0xcf: {  	s1 =	rddreg [dreg:$0x1];
	p0 =	sne.s32 s2, $0x0  }
0xd0: {  	s3 =	rddreg [dreg:$0x2];
	[bflag:$0x3] =	sbarrier.arrive $0xFFFF;
	s2 =	simm.s32 @!p0 $0x1C04  }
0xd1: {  	[timem:s3], [sflag:s2] =	dma.local @!p0 [hbm:s0], s1  }
0xd2: {  	s0 =	simm.s32 @!p0 $0x4  }
0xd3: {  	_ =	swait.ge @!p0 [sflag:s0], s1  }
0xd4: {  	s1 =	ssub.s32 @!p0 $0x0, s1;
	[sflag:s0] =	ssyncset.done @!p0 $0x0  }
0xd5: {  	[sflag:s0] =	ssyncadd.s32 @!p0 s1  }
0xd6: {  	[bflag:$0x3] =	sbarrier.arrive $0xFFFF  }
0xd7: {  	_ =	shalt  }

</sc_bundles>
